<compile_context>
chip_gen: v7x
topology: tpu7x:2x2x1
jax: 0.10.2.dev20260603
libtpu: 0.0.44.dev20260713+nightly
codegen_flags: <defaults>
</compile_context>

<pallas_src>
import functools

import jax
import jax.numpy as jnp
from jax import lax
from jax.experimental import pallas as pl
from jax.experimental.pallas import tpu as pltpu
from jax.experimental.pallas import tpu_sc as plsc

NUM_EMB = 1_000_000
DIM = 32
NB = 4096
NS_TOK = 200
TOTAL = NB * NS_TOK

_info = plsc.get_sparse_core_info()
NC = _info.num_cores
NSUB = _info.num_subcores
NW = NC * NSUB
SPAN = TOTAL // NW
CHUNK = 1600
NCHUNK = SPAN // CHUNK


def _emb_body(idx_hbm, tbl_hbm, out_hbm,
              ix0, ix1, g0, g1,
              si0, si1, sg0, sg1, so0, so1):
    ix = (ix0, ix1)
    g = (g0, g1)
    si = (si0, si1)
    sg = (sg0, sg1)
    so = (so0, so1)

    wid = lax.axis_index("s") * NC + lax.axis_index("c")
    base = wid * SPAN

    def start_idx(c, buf):
        pltpu.async_copy(idx_hbm.at[pl.ds(base + c * CHUNK, CHUNK)],
                         ix[buf], si[buf])

    def wait_idx(c, buf):
        pltpu.make_async_copy(idx_hbm.at[pl.ds(base + c * CHUNK, CHUNK)],
                              ix[buf], si[buf]).wait()

    def start_gather(buf):
        pltpu.async_copy(tbl_hbm.at[ix[buf]], g[buf], sg[buf])

    def wait_gather(buf):
        pltpu.make_async_copy(tbl_hbm.at[ix[buf]], g[buf], sg[buf]).wait()

    def start_write(c, buf):
        pltpu.async_copy(g[buf],
                         out_hbm.at[pl.ds(base + c * CHUNK, CHUNK)], so[buf])

    def wait_write(c, buf):
        pltpu.make_async_copy(g[buf],
                              out_hbm.at[pl.ds(base + c * CHUNK, CHUNK)],
                              so[buf]).wait()

    start_idx(0, 0)
    wait_idx(0, 0)
    start_gather(0)
    start_idx(1, 1)
    for c in range(NCHUNK):
        cur = c % 2
        nxt = 1 - cur
        wait_gather(cur)
        if c >= 1:
            wait_write(c - 1, nxt)
        if c + 1 < NCHUNK:
            wait_idx(c + 1, nxt)
            start_gather(nxt)
        start_write(c, cur)
        if c + 2 < NCHUNK:
            start_idx(c + 2, cur)
    wait_write(NCHUNK - 1, (NCHUNK - 1) % 2)


_emb_call = functools.partial(
    pl.kernel,
    mesh=plsc.VectorSubcoreMesh(core_axis_name="c", subcore_axis_name="s"),
    out_type=jax.ShapeDtypeStruct((TOTAL, DIM), jnp.float32),
    scratch_types=[
        pltpu.VMEM((CHUNK,), jnp.int32),
        pltpu.VMEM((CHUNK,), jnp.int32),
        pltpu.VMEM((CHUNK, DIM), jnp.float32),
        pltpu.VMEM((CHUNK, DIM), jnp.float32),
        pltpu.SemaphoreType.DMA,
        pltpu.SemaphoreType.DMA,
        pltpu.SemaphoreType.DMA,
        pltpu.SemaphoreType.DMA,
        pltpu.SemaphoreType.DMA,
        pltpu.SemaphoreType.DMA,
    ],
    compiler_params=pltpu.CompilerParams(use_tc_tiling_on_sc=False),
)(_emb_body)


@jax.jit
def kernel(token_ids, weight):
    idx = token_ids.reshape(-1).astype(jnp.int32)
    out = _emb_call(idx, weight)
    return out.reshape(NB, NS_TOK, DIM)

# --- scband reference (transcript-rebuilt; emitter-appended) ---
"""Pipeline reference for scband-embedding-6811818131468 (READ-ONLY COPY).

The authoritative reference and input builder live on the scoring server;
editing this copy changes nothing except your own understanding.
"""

import jax, jax.numpy as jnp
import numpy as np

NUM_EMBEDDINGS = 1000000
EMBEDDING_DIM = 32


def setup_inputs(seed: int = 0) -> dict:
    key = jax.random.key(seed)
    k_ids, k_w = jax.random.split(key)
    token_ids = jax.random.randint(k_ids, (4096, 200), 0, NUM_EMBEDDINGS, dtype=jnp.int64)
    # trunc_normal_(mean=0, a=-3, b=3) with std=1 -> truncated normal on [-3, 3]
    weight = jax.random.truncated_normal(k_w, -3.0, 3.0, (NUM_EMBEDDINGS, EMBEDDING_DIM), dtype=jnp.float32)
    return {"token_ids": token_ids, "weight": weight}


def reference(token_ids, weight):
    # Faithful translation of: return self.weight[token_ids]
    return jnp.take(weight, token_ids, axis=0)

if __name__ == "__main__":
    import jax
    _d = setup_inputs()
    print(jax.jit(kernel)(*tuple(_d.values())))

</pallas_src>

<mosaic_0001>
#map = affine_map<(d0, d1) -> (0)>
#map1 = affine_map<(d0, d1) -> (0, 0)>
module attributes {stable_mosaic.version = 14 : i64} {
  func.func @_emb_body(%arg0: i32, %arg1: i32, %arg2: memref<819200xi32, #tpu.memory_space<hbm>>, %arg3: memref<1000000x32xf32, #tpu.memory_space<hbm>>, %arg4: memref<819200x32xf32, #tpu.memory_space<hbm>>, %arg5: memref<1600xi32, #tpu.memory_space<vmem>>, %arg6: memref<1600xi32, #tpu.memory_space<vmem>>, %arg7: memref<1600x32xf32, #tpu.memory_space<vmem>>, %arg8: memref<1600x32xf32, #tpu.memory_space<vmem>>, %arg9: memref<!tpu.dma_semaphore, #tpu.memory_space<semaphore_mem>>, %arg10: memref<!tpu.dma_semaphore, #tpu.memory_space<semaphore_mem>>, %arg11: memref<!tpu.dma_semaphore, #tpu.memory_space<semaphore_mem>>, %arg12: memref<!tpu.dma_semaphore, #tpu.memory_space<semaphore_mem>>, %arg13: memref<!tpu.dma_semaphore, #tpu.memory_space<semaphore_mem>>, %arg14: memref<!tpu.dma_semaphore, #tpu.memory_space<semaphore_mem>>) attributes {dimension_semantics = [#tpu.dimension_semantics<core_parallel>, #tpu.dimension_semantics<subcore_parallel>], iteration_bounds = array<i64: 2, 16>, scalar_prefetch = 0 : i64, scratch_operands = 10 : i64, tpu.core_type = #tpu.core_type<sc_vector_subcore>, window_params = [{transform_indices = #map}, {transform_indices = #map1}, {transform_indices = #map1}]} {
    %mul3A = arith.constant 2 : i32
    %mul3A_0 = arith.muli %arg1, %mul3A : i32
    %add3A = arith.addi %mul3A_0, %arg0 : i32
    %mul3A_1 = arith.constant 25600 : i32
    %mul3A_2 = arith.muli %add3A, %mul3A_1 : i32
    %add3A_3 = arith.constant 0 : i32
    %add3A_4 = arith.addi %mul3A_2, %add3A_3 : i32
    %dma_start3A = tpu.memref_slice %arg2[%add3A_4] : memref<819200xi32, #tpu.memory_space<hbm>> -> memref<1600xi32, #tpu.memory_space<hbm>>
    %dma_start3A_5 = tpu.memref_slice %arg2[%add3A_4] : memref<819200xi32, #tpu.memory_space<hbm>> -> memref<1600xi32, #tpu.memory_space<hbm>>
    tpu.enqueue_dma source(%dma_start3A_5 : memref<1600xi32, #tpu.memory_space<hbm>>) target(%arg5 : memref<1600xi32, #tpu.memory_space<vmem>>) target_semaphore(%arg9 : memref<!tpu.dma_semaphore, #tpu.memory_space<semaphore_mem>>)
    %add3A_6 = arith.constant 0 : i32
    %add3A_7 = arith.addi %mul3A_2, %add3A_6 : i32
    %dma_wait3A = tpu.memref_slice %arg2[%add3A_7] : memref<819200xi32, #tpu.memory_space<hbm>> -> memref<1600xi32, #tpu.memory_space<hbm>>
    %dma_wait3A_8 = tpu.memref_slice %arg2[%add3A_7] : memref<819200xi32, #tpu.memory_space<hbm>> -> memref<1600xi32, #tpu.memory_space<hbm>>
    tpu.wait_dma2 semaphore(%arg9 : memref<!tpu.dma_semaphore, #tpu.memory_space<semaphore_mem>>) src(%dma_wait3A_8 : memref<1600xi32, #tpu.memory_space<hbm>>) dst(%arg5 : memref<1600xi32, #tpu.memory_space<vmem>>)
    %dma_start3A_9 = arith.constant 0 : i32
    %dma_start3A_10 = arith.constant 0 : i32
    %dma_start3A_11 = tpu.memref_slice %arg3[%dma_start3A_9, %dma_start3A_10] : memref<1000000x32xf32, #tpu.memory_space<hbm>> -> memref<1000000x32xf32, #tpu.memory_space<hbm>>
    tpu.enqueue_indirect_dma source(%dma_start3A_11 : memref<1000000x32xf32, #tpu.memory_space<hbm>>) target(%arg7 : memref<1600x32xf32, #tpu.memory_space<vmem>>) offsets(%arg5 : memref<1600xi32, #tpu.memory_space<vmem>>) semaphore(%arg11 : memref<!tpu.dma_semaphore, #tpu.memory_space<semaphore_mem>>)
    %add3A_12 = arith.constant 1600 : i32
    %add3A_13 = arith.addi %mul3A_2, %add3A_12 : i32
    %dma_start3A_14 = tpu.memref_slice %arg2[%add3A_13] : memref<819200xi32, #tpu.memory_space<hbm>> -> memref<1600xi32, #tpu.memory_space<hbm>>
    %dma_start3A_15 = tpu.memref_slice %arg2[%add3A_13] : memref<819200xi32, #tpu.memory_space<hbm>> -> memref<1600xi32, #tpu.memory_space<hbm>>
    tpu.enqueue_dma source(%dma_start3A_15 : memref<1600xi32, #tpu.memory_space<hbm>>) target(%arg6 : memref<1600xi32, #tpu.memory_space<vmem>>) target_semaphore(%arg10 : memref<!tpu.dma_semaphore, #tpu.memory_space<semaphore_mem>>)
    %dma_wait3A_16 = arith.constant 0 : i32
    %dma_wait3A_17 = arith.constant 0 : i32
    %dma_wait3A_18 = tpu.memref_slice %arg3[%dma_wait3A_16, %dma_wait3A_17] : memref<1000000x32xf32, #tpu.memory_space<hbm>> -> memref<1000000x32xf32, #tpu.memory_space<hbm>>
    tpu.wait_indirect_dma semaphore(%arg11 : memref<!tpu.dma_semaphore, #tpu.memory_space<semaphore_mem>>) src(%dma_wait3A_18 : memref<1000000x32xf32, #tpu.memory_space<hbm>>) dst(%arg7 : memref<1600x32xf32, #tpu.memory_space<vmem>>)
    %add3A_19 = arith.constant 1600 : i32
    %add3A_20 = arith.addi %mul3A_2, %add3A_19 : i32
    %dma_wait3A_21 = tpu.memref_slice %arg2[%add3A_20] : memref<819200xi32, #tpu.memory_space<hbm>> -> memref<1600xi32, #tpu.memory_space<hbm>>
    %dma_wait3A_22 = tpu.memref_slice %arg2[%add3A_20] : memref<819200xi32, #tpu.memory_space<hbm>> -> memref<1600xi32, #tpu.memory_space<hbm>>
    tpu.wait_dma2 semaphore(%arg10 : memref<!tpu.dma_semaphore, #tpu.memory_space<semaphore_mem>>) src(%dma_wait3A_22 : memref<1600xi32, #tpu.memory_space<hbm>>) dst(%arg6 : memref<1600xi32, #tpu.memory_space<vmem>>)
    %dma_start3A_23 = arith.constant 0 : i32
    %dma_start3A_24 = arith.constant 0 : i32
    %dma_start3A_25 = tpu.memref_slice %arg3[%dma_start3A_23, %dma_start3A_24] : memref<1000000x32xf32, #tpu.memory_space<hbm>> -> memref<1000000x32xf32, #tpu.memory_space<hbm>>
    tpu.enqueue_indirect_dma source(%dma_start3A_25 : memref<1000000x32xf32, #tpu.memory_space<hbm>>) target(%arg8 : memref<1600x32xf32, #tpu.memory_space<vmem>>) offsets(%arg6 : memref<1600xi32, #tpu.memory_space<vmem>>) semaphore(%arg12 : memref<!tpu.dma_semaphore, #tpu.memory_space<semaphore_mem>>)
    %add3A_26 = arith.constant 0 : i32
    %add3A_27 = arith.addi %mul3A_2, %add3A_26 : i32
    %dma_start3A_28 = arith.constant 0 : i32
    %dma_start3A_29 = tpu.memref_slice %arg4[%add3A_27, %dma_start3A_28] : memref<819200x32xf32, #tpu.memory_space<hbm>> -> memref<1600x32xf32, #tpu.memory_space<hbm>>
    %dma_start3A_30 = arith.constant 0 : i32
    %dma_start3A_31 = tpu.memref_slice %arg4[%add3A_27, %dma_start3A_30] : memref<819200x32xf32, #tpu.memory_space<hbm>> -> memref<1600x32xf32, #tpu.memory_space<hbm>>
    tpu.enqueue_dma source(%arg7 : memref<1600x32xf32, #tpu.memory_space<vmem>>) target(%dma_start3A_31 : memref<1600x32xf32, #tpu.memory_space<hbm>>) target_semaphore(%arg13 : memref<!tpu.dma_semaphore, #tpu.memory_space<semaphore_mem>>)
    %add3A_32 = arith.constant 3200 : i32
    %add3A_33 = arith.addi %mul3A_2, %add3A_32 : i32
    %dma_start3A_34 = tpu.memref_slice %arg2[%add3A_33] : memref<819200xi32, #tpu.memory_space<hbm>> -> memref<1600xi32, #tpu.memory_space<hbm>>
    %dma_start3A_35 = tpu.memref_slice %arg2[%add3A_33] : memref<819200xi32, #tpu.memory_space<hbm>> -> memref<1600xi32, #tpu.memory_space<hbm>>
    tpu.enqueue_dma source(%dma_start3A_35 : memref<1600xi32, #tpu.memory_space<hbm>>) target(%arg5 : memref<1600xi32, #tpu.memory_space<vmem>>) target_semaphore(%arg9 : memref<!tpu.dma_semaphore, #tpu.memory_space<semaphore_mem>>)
    %dma_wait3A_36 = arith.constant 0 : i32
    %dma_wait3A_37 = arith.constant 0 : i32
    %dma_wait3A_38 = tpu.memref_slice %arg3[%dma_wait3A_36, %dma_wait3A_37] : memref<1000000x32xf32, #tpu.memory_space<hbm>> -> memref<1000000x32xf32, #tpu.memory_space<hbm>>
    tpu.wait_indirect_dma semaphore(%arg12 : memref<!tpu.dma_semaphore, #tpu.memory_space<semaphore_mem>>) src(%dma_wait3A_38 : memref<1000000x32xf32, #tpu.memory_space<hbm>>) dst(%arg8 : memref<1600x32xf32, #tpu.memory_space<vmem>>)
    %add3A_39 = arith.constant 0 : i32
    %add3A_40 = arith.addi %mul3A_2, %add3A_39 : i32
    %dma_wait3A_41 = arith.constant 0 : i32
    %dma_wait3A_42 = tpu.memref_slice %arg4[%add3A_40, %dma_wait3A_41] : memref<819200x32xf32, #tpu.memory_space<hbm>> -> memref<1600x32xf32, #tpu.memory_space<hbm>>
    %dma_wait3A_43 = arith.constant 0 : i32
    %dma_wait3A_44 = tpu.memref_slice %arg4[%add3A_40, %dma_wait3A_43] : memref<819200x32xf32, #tpu.memory_space<hbm>> -> memref<1600x32xf32, #tpu.memory_space<hbm>>
    tpu.wait_dma2 semaphore(%arg13 : memref<!tpu.dma_semaphore, #tpu.memory_space<semaphore_mem>>) src(%arg7 : memref<1600x32xf32, #tpu.memory_space<vmem>>) dst(%dma_wait3A_44 : memref<1600x32xf32, #tpu.memory_space<hbm>>)
    %add3A_45 = arith.constant 3200 : i32
    %add3A_46 = arith.addi %mul3A_2, %add3A_45 : i32
    %dma_wait3A_47 = tpu.memref_slice %arg2[%add3A_46] : memref<819200xi32, #tpu.memory_space<hbm>> -> memref<1600xi32, #tpu.memory_space<hbm>>
    %dma_wait3A_48 = tpu.memref_slice %arg2[%add3A_46] : memref<819200xi32, #tpu.memory_space<hbm>> -> memref<1600xi32, #tpu.memory_space<hbm>>
    tpu.wait_dma2 semaphore(%arg9 : memref<!tpu.dma_semaphore, #tpu.memory_space<semaphore_mem>>) src(%dma_wait3A_48 : memref<1600xi32, #tpu.memory_space<hbm>>) dst(%arg5 : memref<1600xi32, #tpu.memory_space<vmem>>)
    %dma_start3A_49 = arith.constant 0 : i32
    %dma_start3A_50 = arith.constant 0 : i32
    %dma_start3A_51 = tpu.memref_slice %arg3[%dma_start3A_49, %dma_start3A_50] : memref<1000000x32xf32, #tpu.memory_space<hbm>> -> memref<1000000x32xf32, #tpu.memory_space<hbm>>
    tpu.enqueue_indirect_dma source(%dma_start3A_51 : memref<1000000x32xf32, #tpu.memory_space<hbm>>) target(%arg7 : memref<1600x32xf32, #tpu.memory_space<vmem>>) offsets(%arg5 : memref<1600xi32, #tpu.memory_space<vmem>>) semaphore(%arg11 : memref<!tpu.dma_semaphore, #tpu.memory_space<semaphore_mem>>)
    %add3A_52 = arith.constant 1600 : i32
    %add3A_53 = arith.addi %mul3A_2, %add3A_52 : i32
    %dma_start3A_54 = arith.constant 0 : i32
    %dma_start3A_55 = tpu.memref_slice %arg4[%add3A_53, %dma_start3A_54] : memref<819200x32xf32, #tpu.memory_space<hbm>> -> memref<1600x32xf32, #tpu.memory_space<hbm>>
    %dma_start3A_56 = arith.constant 0 : i32
    %dma_start3A_57 = tpu.memref_slice %arg4[%add3A_53, %dma_start3A_56] : memref<819200x32xf32, #tpu.memory_space<hbm>> -> memref<1600x32xf32, #tpu.memory_space<hbm>>
    tpu.enqueue_dma source(%arg8 : memref<1600x32xf32, #tpu.memory_space<vmem>>) target(%dma_start3A_57 : memref<1600x32xf32, #tpu.memory_space<hbm>>) target_semaphore(%arg14 : memref<!tpu.dma_semaphore, #tpu.memory_space<semaphore_mem>>)
    %add3A_58 = arith.constant 4800 : i32
    %add3A_59 = arith.addi %mul3A_2, %add3A_58 : i32
    %dma_start3A_60 = tpu.memref_slice %arg2[%add3A_59] : memref<819200xi32, #tpu.memory_space<hbm>> -> memref<1600xi32, #tpu.memory_space<hbm>>
    %dma_start3A_61 = tpu.memref_slice %arg2[%add3A_59] : memref<819200xi32, #tpu.memory_space<hbm>> -> memref<1600xi32, #tpu.memory_space<hbm>>
    tpu.enqueue_dma source(%dma_start3A_61 : memref<1600xi32, #tpu.memory_space<hbm>>) target(%arg6 : memref<1600xi32, #tpu.memory_space<vmem>>) target_semaphore(%arg10 : memref<!tpu.dma_semaphore, #tpu.memory_space<semaphore_mem>>)
    %dma_wait3A_62 = arith.constant 0 : i32
    %dma_wait3A_63 = arith.constant 0 : i32
    %dma_wait3A_64 = tpu.memref_slice %arg3[%dma_wait3A_62, %dma_wait3A_63] : memref<1000000x32xf32, #tpu.memory_space<hbm>> -> memref<1000000x32xf32, #tpu.memory_space<hbm>>
    tpu.wait_indirect_dma semaphore(%arg11 : memref<!tpu.dma_semaphore, #tpu.memory_space<semaphore_mem>>) src(%dma_wait3A_64 : memref<1000000x32xf32, #tpu.memory_space<hbm>>) dst(%arg7 : memref<1600x32xf32, #tpu.memory_space<vmem>>)
    %add3A_65 = arith.constant 1600 : i32
    %add3A_66 = arith.addi %mul3A_2, %add3A_65 : i32
    %dma_wait3A_67 = arith.constant 0 : i32
    %dma_wait3A_68 = tpu.memref_slice %arg4[%add3A_66, %dma_wait3A_67] : memref<819200x32xf32, #tpu.memory_space<hbm>> -> memref<1600x32xf32, #tpu.memory_space<hbm>>
    %dma_wait3A_69 = arith.constant 0 : i32
    %dma_wait3A_70 = tpu.memref_slice %arg4[%add3A_66, %dma_wait3A_69] : memref<819200x32xf32, #tpu.memory_space<hbm>> -> memref<1600x32xf32, #tpu.memory_space<hbm>>
    tpu.wait_dma2 semaphore(%arg14 : memref<!tpu.dma_semaphore, #tpu.memory_space<semaphore_mem>>) src(%arg8 : memref<1600x32xf32, #tpu.memory_space<vmem>>) dst(%dma_wait3A_70 : memref<1600x32xf32, #tpu.memory_space<hbm>>)
    %add3A_71 = arith.constant 4800 : i32
    %add3A_72 = arith.addi %mul3A_2, %add3A_71 : i32
    %dma_wait3A_73 = tpu.memref_slice %arg2[%add3A_72] : memref<819200xi32, #tpu.memory_space<hbm>> -> memref<1600xi32, #tpu.memory_space<hbm>>
    %dma_wait3A_74 = tpu.memref_slice %arg2[%add3A_72] : memref<819200xi32, #tpu.memory_space<hbm>> -> memref<1600xi32, #tpu.memory_space<hbm>>
    tpu.wait_dma2 semaphore(%arg10 : memref<!tpu.dma_semaphore, #tpu.memory_space<semaphore_mem>>) src(%dma_wait3A_74 : memref<1600xi32, #tpu.memory_space<hbm>>) dst(%arg6 : memref<1600xi32, #tpu.memory_space<vmem>>)
    %dma_start3A_75 = arith.constant 0 : i32
    %dma_start3A_76 = arith.constant 0 : i32
    %dma_start3A_77 = tpu.memref_slice %arg3[%dma_start3A_75, %dma_start3A_76] : memref<1000000x32xf32, #tpu.memory_space<hbm>> -> memref<1000000x32xf32, #tpu.memory_space<hbm>>
    tpu.enqueue_indirect_dma source(%dma_start3A_77 : memref<1000000x32xf32, #tpu.memory_space<hbm>>) target(%arg8 : memref<1600x32xf32, #tpu.memory_space<vmem>>) offsets(%arg6 : memref<1600xi32, #tpu.memory_space<vmem>>) semaphore(%arg12 : memref<!tpu.dma_semaphore, #tpu.memory_space<semaphore_mem>>)
    %add3A_78 = arith.constant 3200 : i32
    %add3A_79 = arith.addi %mul3A_2, %add3A_78 : i32
    %dma_start3A_80 = arith.constant 0 : i32
    %dma_start3A_81 = tpu.memref_slice %arg4[%add3A_79, %dma_start3A_80] : memref<819200x32xf32, #tpu.memory_space<hbm>> -> memref<1600x32xf32, #tpu.memory_space<hbm>>
    %dma_start3A_82 = arith.constant 0 : i32
    %dma_start3A_83 = tpu.memref_slice %arg4[%add3A_79, %dma_start3A_82] : memref<819200x32xf32, #tpu.memory_space<hbm>> -> memref<1600x32xf32, #tpu.memory_space<hbm>>
    tpu.enqueue_dma source(%arg7 : memref<1600x32xf32, #tpu.memory_space<vmem>>) target(%dma_start3A_83 : memref<1600x32xf32, #tpu.memory_space<hbm>>) target_semaphore(%arg13 : memref<!tpu.dma_semaphore, #tpu.memory_space<semaphore_mem>>)
    %add3A_84 = arith.constant 6400 : i32
    %add3A_85 = arith.addi %mul3A_2, %add3A_84 : i32
    %dma_start3A_86 = tpu.memref_slice %arg2[%add3A_85] : memref<819200xi32, #tpu.memory_space<hbm>> -> memref<1600xi32, #tpu.memory_space<hbm>>
    %dma_start3A_87 = tpu.memref_slice %arg2[%add3A_85] : memref<819200xi32, #tpu.memory_space<hbm>> -> memref<1600xi32, #tpu.memory_space<hbm>>
    tpu.enqueue_dma source(%dma_start3A_87 : memref<1600xi32, #tpu.memory_space<hbm>>) target(%arg5 : memref<1600xi32, #tpu.memory_space<vmem>>) target_semaphore(%arg9 : memref<!tpu.dma_semaphore, #tpu.memory_space<semaphore_mem>>)
    %dma_wait3A_88 = arith.constant 0 : i32
    %dma_wait3A_89 = arith.constant 0 : i32
    %dma_wait3A_90 = tpu.memref_slice %arg3[%dma_wait3A_88, %dma_wait3A_89] : memref<1000000x32xf32, #tpu.memory_space<hbm>> -> memref<1000000x32xf32, #tpu.memory_space<hbm>>
    tpu.wait_indirect_dma semaphore(%arg12 : memref<!tpu.dma_semaphore, #tpu.memory_space<semaphore_mem>>) src(%dma_wait3A_90 : memref<1000000x32xf32, #tpu.memory_space<hbm>>) dst(%arg8 : memref<1600x32xf32, #tpu.memory_space<vmem>>)
    %add3A_91 = arith.constant 3200 : i32
    %add3A_92 = arith.addi %mul3A_2, %add3A_91 : i32
    %dma_wait3A_93 = arith.constant 0 : i32
    %dma_wait3A_94 = tpu.memref_slice %arg4[%add3A_92, %dma_wait3A_93] : memref<819200x32xf32, #tpu.memory_space<hbm>> -> memref<1600x32xf32, #tpu.memory_space<hbm>>
    %dma_wait3A_95 = arith.constant 0 : i32
    %dma_wait3A_96 = tpu.memref_slice %arg4[%add3A_92, %dma_wait3A_95] : memref<819200x32xf32, #tpu.memory_space<hbm>> -> memref<1600x32xf32, #tpu.memory_space<hbm>>
    tpu.wait_dma2 semaphore(%arg13 : memref<!tpu.dma_semaphore, #tpu.memory_space<semaphore_mem>>) src(%arg7 : memref<1600x32xf32, #tpu.memory_space<vmem>>) dst(%dma_wait3A_96 : memref<1600x32xf32, #tpu.memory_space<hbm>>)
    %add3A_97 = arith.constant 6400 : i32
    %add3A_98 = arith.addi %mul3A_2, %add3A_97 : i32
    %dma_wait3A_99 = tpu.memref_slice %arg2[%add3A_98] : memref<819200xi32, #tpu.memory_space<hbm>> -> memref<1600xi32, #tpu.memory_space<hbm>>
    %dma_wait3A_100 = tpu.memref_slice %arg2[%add3A_98] : memref<819200xi32, #tpu.memory_space<hbm>> -> memref<1600xi32, #tpu.memory_space<hbm>>
    tpu.wait_dma2 semaphore(%arg9 : memref<!tpu.dma_semaphore, #tpu.memory_space<semaphore_mem>>) src(%dma_wait3A_100 : memref<1600xi32, #tpu.memory_space<hbm>>) dst(%arg5 : memref<1600xi32, #tpu.memory_space<vmem>>)
    %dma_start3A_101 = arith.constant 0 : i32
    %dma_start3A_102 = arith.constant 0 : i32
    %dma_start3A_103 = tpu.memref_slice %arg3[%dma_start3A_101, %dma_start3A_102] : memref<1000000x32xf32, #tpu.memory_space<hbm>> -> memref<1000000x32xf32, #tpu.memory_space<hbm>>
    tpu.enqueue_indirect_dma source(%dma_start3A_103 : memref<1000000x32xf32, #tpu.memory_space<hbm>>) target(%arg7 : memref<1600x32xf32, #tpu.memory_space<vmem>>) offsets(%arg5 : memref<1600xi32, #tpu.memory_space<vmem>>) semaphore(%arg11 : memref<!tpu.dma_semaphore, #tpu.memory_space<semaphore_mem>>)
    %add3A_104 = arith.constant 4800 : i32
    %add3A_105 = arith.addi %mul3A_2, %add3A_104 : i32
    %dma_start3A_106 = arith.constant 0 : i32
    %dma_start3A_107 = tpu.memref_slice %arg4[%add3A_105, %dma_start3A_106] : memref<819200x32xf32, #tpu.memory_space<hbm>> -> memref<1600x32xf32, #tpu.memory_space<hbm>>
    %dma_start3A_108 = arith.constant 0 : i32
    %dma_start3A_109 = tpu.memref_slice %arg4[%add3A_105, %dma_start3A_108] : memref<819200x32xf32, #tpu.memory_space<hbm>> -> memref<1600x32xf32, #tpu.memory_space<hbm>>
    tpu.enqueue_dma source(%arg8 : memref<1600x32xf32, #tpu.memory_space<vmem>>) target(%dma_start3A_109 : memref<1600x32xf32, #tpu.memory_space<hbm>>) target_semaphore(%arg14 : memref<!tpu.dma_semaphore, #tpu.memory_space<semaphore_mem>>)
    %add3A_110 = arith.constant 8000 : i32
    %add3A_111 = arith.addi %mul3A_2, %add3A_110 : i32
    %dma_start3A_112 = tpu.memref_slice %arg2[%add3A_111] : memref<819200xi32, #tpu.memory_space<hbm>> -> memref<1600xi32, #tpu.memory_space<hbm>>
    %dma_start3A_113 = tpu.memref_slice %arg2[%add3A_111] : memref<819200xi32, #tpu.memory_space<hbm>> -> memref<1600xi32, #tpu.memory_space<hbm>>
    tpu.enqueue_dma source(%dma_start3A_113 : memref<1600xi32, #tpu.memory_space<hbm>>) target(%arg6 : memref<1600xi32, #tpu.memory_space<vmem>>) target_semaphore(%arg10 : memref<!tpu.dma_semaphore, #tpu.memory_space<semaphore_mem>>)
    %dma_wait3A_114 = arith.constant 0 : i32
    %dma_wait3A_115 = arith.constant 0 : i32
    %dma_wait3A_116 = tpu.memref_slice %arg3[%dma_wait3A_114, %dma_wait3A_115] : memref<1000000x32xf32, #tpu.memory_space<hbm>> -> memref<1000000x32xf32, #tpu.memory_space<hbm>>
    tpu.wait_indirect_dma semaphore(%arg11 : memref<!tpu.dma_semaphore, #tpu.memory_space<semaphore_mem>>) src(%dma_wait3A_116 : memref<1000000x32xf32, #tpu.memory_space<hbm>>) dst(%arg7 : memref<1600x32xf32, #tpu.memory_space<vmem>>)
    %add3A_117 = arith.constant 4800 : i32
    %add3A_118 = arith.addi %mul3A_2, %add3A_117 : i32
    %dma_wait3A_119 = arith.constant 0 : i32
    %dma_wait3A_120 = tpu.memref_slice %arg4[%add3A_118, %dma_wait3A_119] : memref<819200x32xf32, #tpu.memory_space<hbm>> -> memref<1600x32xf32, #tpu.memory_space<hbm>>
    %dma_wait3A_121 = arith.constant 0 : i32
    %dma_wait3A_122 = tpu.memref_slice %arg4[%add3A_118, %dma_wait3A_121] : memref<819200x32xf32, #tpu.memory_space<hbm>> -> memref<1600x32xf32, #tpu.memory_space<hbm>>
    tpu.wait_dma2 semaphore(%arg14 : memref<!tpu.dma_semaphore, #tpu.memory_space<semaphore_mem>>) src(%arg8 : memref<1600x32xf32, #tpu.memory_space<vmem>>) dst(%dma_wait3A_122 : memref<1600x32xf32, #tpu.memory_space<hbm>>)
    %add3A_123 = arith.constant 8000 : i32
    %add3A_124 = arith.addi %mul3A_2, %add3A_123 : i32
    %dma_wait3A_125 = tpu.memref_slice %arg2[%add3A_124] : memref<819200xi32, #tpu.memory_space<hbm>> -> memref<1600xi32, #tpu.memory_space<hbm>>
    %dma_wait3A_126 = tpu.memref_slice %arg2[%add3A_124] : memref<819200xi32, #tpu.memory_space<hbm>> -> memref<1600xi32, #tpu.memory_space<hbm>>
    tpu.wait_dma2 semaphore(%arg10 : memref<!tpu.dma_semaphore, #tpu.memory_space<semaphore_mem>>) src(%dma_wait3A_126 : memref<1600xi32, #tpu.memory_space<hbm>>) dst(%arg6 : memref<1600xi32, #tpu.memory_space<vmem>>)
    %dma_start3A_127 = arith.constant 0 : i32
    %dma_start3A_128 = arith.constant 0 : i32
    %dma_start3A_129 = tpu.memref_slice %arg3[%dma_start3A_127, %dma_start3A_128] : memref<1000000x32xf32, #tpu.memory_space<hbm>> -> memref<1000000x32xf32, #tpu.memory_space<hbm>>
    tpu.enqueue_indirect_dma source(%dma_start3A_129 : memref<1000000x32xf32, #tpu.memory_space<hbm>>) target(%arg8 : memref<1600x32xf32, #tpu.memory_space<vmem>>) offsets(%arg6 : memref<1600xi32, #tpu.memory_space<vmem>>) semaphore(%arg12 : memref<!tpu.dma_semaphore, #tpu.memory_space<semaphore_mem>>)
    %add3A_130 = arith.constant 6400 : i32
    %add3A_131 = arith.addi %mul3A_2, %add3A_130 : i32
    %dma_start3A_132 = arith.constant 0 : i32
    %dma_start3A_133 = tpu.memref_slice %arg4[%add3A_131, %dma_start3A_132] : memref<819200x32xf32, #tpu.memory_space<hbm>> -> memref<1600x32xf32, #tpu.memory_space<hbm>>
    %dma_start3A_134 = arith.constant 0 : i32
    %dma_start3A_135 = tpu.memref_slice %arg4[%add3A_131, %dma_start3A_134] : memref<819200x32xf32, #tpu.memory_space<hbm>> -> memref<1600x32xf32, #tpu.memory_space<hbm>>
    tpu.enqueue_dma source(%arg7 : memref<1600x32xf32, #tpu.memory_space<vmem>>) target(%dma_start3A_135 : memref<1600x32xf32, #tpu.memory_space<hbm>>) target_semaphore(%arg13 : memref<!tpu.dma_semaphore, #tpu.memory_space<semaphore_mem>>)
    %add3A_136 = arith.constant 9600 : i32
    %add3A_137 = arith.addi %mul3A_2, %add3A_136 : i32
    %dma_start3A_138 = tpu.memref_slice %arg2[%add3A_137] : memref<819200xi32, #tpu.memory_space<hbm>> -> memref<1600xi32, #tpu.memory_space<hbm>>
    %dma_start3A_139 = tpu.memref_slice %arg2[%add3A_137] : memref<819200xi32, #tpu.memory_space<hbm>> -> memref<1600xi32, #tpu.memory_space<hbm>>
    tpu.enqueue_dma source(%dma_start3A_139 : memref<1600xi32, #tpu.memory_space<hbm>>) target(%arg5 : memref<1600xi32, #tpu.memory_space<vmem>>) target_semaphore(%arg9 : memref<!tpu.dma_semaphore, #tpu.memory_space<semaphore_mem>>)
    %dma_wait3A_140 = arith.constant 0 : i32
    %dma_wait3A_141 = arith.constant 0 : i32
    %dma_wait3A_142 = tpu.memref_slice %arg3[%dma_wait3A_140, %dma_wait3A_141] : memref<1000000x32xf32, #tpu.memory_space<hbm>> -> memref<1000000x32xf32, #tpu.memory_space<hbm>>
    tpu.wait_indirect_dma semaphore(%arg12 : memref<!tpu.dma_semaphore, #tpu.memory_space<semaphore_mem>>) src(%dma_wait3A_142 : memref<1000000x32xf32, #tpu.memory_space<hbm>>) dst(%arg8 : memref<1600x32xf32, #tpu.memory_space<vmem>>)
    %add3A_143 = arith.constant 6400 : i32
    %add3A_144 = arith.addi %mul3A_2, %add3A_143 : i32
    %dma_wait3A_145 = arith.constant 0 : i32
    %dma_wait3A_146 = tpu.memref_slice %arg4[%add3A_144, %dma_wait3A_145] : memref<819200x32xf32, #tpu.memory_space<hbm>> -> memref<1600x32xf32, #tpu.memory_space<hbm>>
    %dma_wait3A_147 = arith.constant 0 : i32
    %dma_wait3A_148 = tpu.memref_slice %arg4[%add3A_144, %dma_wait3A_147] : memref<819200x32xf32, #tpu.memory_space<hbm>> -> memref<1600x32xf32, #tpu.memory_space<hbm>>
    tpu.wait_dma2 semaphore(%arg13 : memref<!tpu.dma_semaphore, #tpu.memory_space<semaphore_mem>>) src(%arg7 : memref<1600x32xf32, #tpu.memory_space<vmem>>) dst(%dma_wait3A_148 : memref<1600x32xf32, #tpu.memory_space<hbm>>)
    %add3A_149 = arith.constant 9600 : i32
    %add3A_150 = arith.addi %mul3A_2, %add3A_149 : i32
    %dma_wait3A_151 = tpu.memref_slice %arg2[%add3A_150] : memref<819200xi32, #tpu.memory_space<hbm>> -> memref<1600xi32, #tpu.memory_space<hbm>>
    %dma_wait3A_152 = tpu.memref_slice %arg2[%add3A_150] : memref<819200xi32, #tpu.memory_space<hbm>> -> memref<1600xi32, #tpu.memory_space<hbm>>
    tpu.wait_dma2 semaphore(%arg9 : memref<!tpu.dma_semaphore, #tpu.memory_space<semaphore_mem>>) src(%dma_wait3A_152 : memref<1600xi32, #tpu.memory_space<hbm>>) dst(%arg5 : memref<1600xi32, #tpu.memory_space<vmem>>)
    %dma_start3A_153 = arith.constant 0 : i32
    %dma_start3A_154 = arith.constant 0 : i32
    %dma_start3A_155 = tpu.memref_slice %arg3[%dma_start3A_153, %dma_start3A_154] : memref<1000000x32xf32, #tpu.memory_space<hbm>> -> memref<1000000x32xf32, #tpu.memory_space<hbm>>
    tpu.enqueue_indirect_dma source(%dma_start3A_155 : memref<1000000x32xf32, #tpu.memory_space<hbm>>) target(%arg7 : memref<1600x32xf32, #tpu.memory_space<vmem>>) offsets(%arg5 : memref<1600xi32, #tpu.memory_space<vmem>>) semaphore(%arg11 : memref<!tpu.dma_semaphore, #tpu.memory_space<semaphore_mem>>)
    %add3A_156 = arith.constant 8000 : i32
    %add3A_157 = arith.addi %mul3A_2, %add3A_156 : i32
    %dma_start3A_158 = arith.constant 0 : i32
    %dma_start3A_159 = tpu.memref_slice %arg4[%add3A_157, %dma_start3A_158] : memref<819200x32xf32, #tpu.memory_space<hbm>> -> memref<1600x32xf32, #tpu.memory_space<hbm>>
    %dma_start3A_160 = arith.constant 0 : i32
    %dma_start3A_161 = tpu.memref_slice %arg4[%add3A_157, %dma_start3A_160] : memref<819200x32xf32, #tpu.memory_space<hbm>> -> memref<1600x32xf32, #tpu.memory_space<hbm>>
    tpu.enqueue_dma source(%arg8 : memref<1600x32xf32, #tpu.memory_space<vmem>>) target(%dma_start3A_161 : memref<1600x32xf32, #tpu.memory_space<hbm>>) target_semaphore(%arg14 : memref<!tpu.dma_semaphore, #tpu.memory_space<semaphore_mem>>)
    %add3A_162 = arith.constant 11200 : i32
    %add3A_163 = arith.addi %mul3A_2, %add3A_162 : i32
    %dma_start3A_164 = tpu.memref_slice %arg2[%add3A_163] : memref<819200xi32, #tpu.memory_space<hbm>> -> memref<1600xi32, #tpu.memory_space<hbm>>
    %dma_start3A_165 = tpu.memref_slice %arg2[%add3A_163] : memref<819200xi32, #tpu.memory_space<hbm>> -> memref<1600xi32, #tpu.memory_space<hbm>>
    tpu.enqueue_dma source(%dma_start3A_165 : memref<1600xi32, #tpu.memory_space<hbm>>) target(%arg6 : memref<1600xi32, #tpu.memory_space<vmem>>) target_semaphore(%arg10 : memref<!tpu.dma_semaphore, #tpu.memory_space<semaphore_mem>>)
    %dma_wait3A_166 = arith.constant 0 : i32
    %dma_wait3A_167 = arith.constant 0 : i32
    %dma_wait3A_168 = tpu.memref_slice %arg3[%dma_wait3A_166, %dma_wait3A_167] : memref<1000000x32xf32, #tpu.memory_space<hbm>> -> memref<1000000x32xf32, #tpu.memory_space<hbm>>
    tpu.wait_indirect_dma semaphore(%arg11 : memref<!tpu.dma_semaphore, #tpu.memory_space<semaphore_mem>>) src(%dma_wait3A_168 : memref<1000000x32xf32, #tpu.memory_space<hbm>>) dst(%arg7 : memref<1600x32xf32, #tpu.memory_space<vmem>>)
    %add3A_169 = arith.constant 8000 : i32
    %add3A_170 = arith.addi %mul3A_2, %add3A_169 : i32
    %dma_wait3A_171 = arith.constant 0 : i32
    %dma_wait3A_172 = tpu.memref_slice %arg4[%add3A_170, %dma_wait3A_171] : memref<819200x32xf32, #tpu.memory_space<hbm>> -> memref<1600x32xf32, #tpu.memory_space<hbm>>
    %dma_wait3A_173 = arith.constant 0 : i32
    %dma_wait3A_174 = tpu.memref_slice %arg4[%add3A_170, %dma_wait3A_173] : memref<819200x32xf32, #tpu.memory_space<hbm>> -> memref<1600x32xf32, #tpu.memory_space<hbm>>
    tpu.wait_dma2 semaphore(%arg14 : memref<!tpu.dma_semaphore, #tpu.memory_space<semaphore_mem>>) src(%arg8 : memref<1600x32xf32, #tpu.memory_space<vmem>>) dst(%dma_wait3A_174 : memref<1600x32xf32, #tpu.memory_space<hbm>>)
    %add3A_175 = arith.constant 11200 : i32
    %add3A_176 = arith.addi %mul3A_2, %add3A_175 : i32
    %dma_wait3A_177 = tpu.memref_slice %arg2[%add3A_176] : memref<819200xi32, #tpu.memory_space<hbm>> -> memref<1600xi32, #tpu.memory_space<hbm>>
    %dma_wait3A_178 = tpu.memref_slice %arg2[%add3A_176] : memref<819200xi32, #tpu.memory_space<hbm>> -> memref<1600xi32, #tpu.memory_space<hbm>>
    tpu.wait_dma2 semaphore(%arg10 : memref<!tpu.dma_semaphore, #tpu.memory_space<semaphore_mem>>) src(%dma_wait3A_178 : memref<1600xi32, #tpu.memory_space<hbm>>) dst(%arg6 : memref<1600xi32, #tpu.memory_space<vmem>>)
    %dma_start3A_179 = arith.constant 0 : i32
    %dma_start3A_180 = arith.constant 0 : i32
    %dma_start3A_181 = tpu.memref_slice %arg3[%dma_start3A_179, %dma_start3A_180] : memref<1000000x32xf32, #tpu.memory_space<hbm>> -> memref<1000000x32xf32, #tpu.memory_space<hbm>>
    tpu.enqueue_indirect_dma source(%dma_start3A_181 : memref<1000000x32xf32, #tpu.memory_space<hbm>>) target(%arg8 : memref<1600x32xf32, #tpu.memory_space<vmem>>) offsets(%arg6 : memref<1600xi32, #tpu.memory_space<vmem>>) semaphore(%arg12 : memref<!tpu.dma_semaphore, #tpu.memory_space<semaphore_mem>>)
    %add3A_182 = arith.constant 9600 : i32
    %add3A_183 = arith.addi %mul3A_2, %add3A_182 : i32
    %dma_start3A_184 = arith.constant 0 : i32
    %dma_start3A_185 = tpu.memref_slice %arg4[%add3A_183, %dma_start3A_184] : memref<819200x32xf32, #tpu.memory_space<hbm>> -> memref<1600x32xf32, #tpu.memory_space<hbm>>
    %dma_start3A_186 = arith.constant 0 : i32
    %dma_start3A_187 = tpu.memref_slice %arg4[%add3A_183, %dma_start3A_186] : memref<819200x32xf32, #tpu.memory_space<hbm>> -> memref<1600x32xf32, #tpu.memory_space<hbm>>
    tpu.enqueue_dma source(%arg7 : memref<1600x32xf32, #tpu.memory_space<vmem>>) target(%dma_start3A_187 : memref<1600x32xf32, #tpu.memory_space<hbm>>) target_semaphore(%arg13 : memref<!tpu.dma_semaphore, #tpu.memory_space<semaphore_mem>>)
    %add3A_188 = arith.constant 12800 : i32
    %add3A_189 = arith.addi %mul3A_2, %add3A_188 : i32
    %dma_start3A_190 = tpu.memref_slice %arg2[%add3A_189] : memref<819200xi32, #tpu.memory_space<hbm>> -> memref<1600xi32, #tpu.memory_space<hbm>>
    %dma_start3A_191 = tpu.memref_slice %arg2[%add3A_189] : memref<819200xi32, #tpu.memory_space<hbm>> -> memref<1600xi32, #tpu.memory_space<hbm>>
    tpu.enqueue_dma source(%dma_start3A_191 : memref<1600xi32, #tpu.memory_space<hbm>>) target(%arg5 : memref<1600xi32, #tpu.memory_space<vmem>>) target_semaphore(%arg9 : memref<!tpu.dma_semaphore, #tpu.memory_space<semaphore_mem>>)
    %dma_wait3A_192 = arith.constant 0 : i32
    %dma_wait3A_193 = arith.constant 0 : i32
    %dma_wait3A_194 = tpu.memref_slice %arg3[%dma_wait3A_192, %dma_wait3A_193] : memref<1000000x32xf32, #tpu.memory_space<hbm>> -> memref<1000000x32xf32, #tpu.memory_space<hbm>>
    tpu.wait_indirect_dma semaphore(%arg12 : memref<!tpu.dma_semaphore, #tpu.memory_space<semaphore_mem>>) src(%dma_wait3A_194 : memref<1000000x32xf32, #tpu.memory_space<hbm>>) dst(%arg8 : memref<1600x32xf32, #tpu.memory_space<vmem>>)
    %add3A_195 = arith.constant 9600 : i32
    %add3A_196 = arith.addi %mul3A_2, %add3A_195 : i32
    %dma_wait3A_197 = arith.constant 0 : i32
    %dma_wait3A_198 = tpu.memref_slice %arg4[%add3A_196, %dma_wait3A_197] : memref<819200x32xf32, #tpu.memory_space<hbm>> -> memref<1600x32xf32, #tpu.memory_space<hbm>>
    %dma_wait3A_199 = arith.constant 0 : i32
    %dma_wait3A_200 = tpu.memref_slice %arg4[%add3A_196, %dma_wait3A_199] : memref<819200x32xf32, #tpu.memory_space<hbm>> -> memref<1600x32xf32, #tpu.memory_space<hbm>>
    tpu.wait_dma2 semaphore(%arg13 : memref<!tpu.dma_semaphore, #tpu.memory_space<semaphore_mem>>) src(%arg7 : memref<1600x32xf32, #tpu.memory_space<vmem>>) dst(%dma_wait3A_200 : memref<1600x32xf32, #tpu.memory_space<hbm>>)
    %add3A_201 = arith.constant 12800 : i32
    %add3A_202 = arith.addi %mul3A_2, %add3A_201 : i32
    %dma_wait3A_203 = tpu.memref_slice %arg2[%add3A_202] : memref<819200xi32, #tpu.memory_space<hbm>> -> memref<1600xi32, #tpu.memory_space<hbm>>
    %dma_wait3A_204 = tpu.memref_slice %arg2[%add3A_202] : memref<819200xi32, #tpu.memory_space<hbm>> -> memref<1600xi32, #tpu.memory_space<hbm>>
    tpu.wait_dma2 semaphore(%arg9 : memref<!tpu.dma_semaphore, #tpu.memory_space<semaphore_mem>>) src(%dma_wait3A_204 : memref<1600xi32, #tpu.memory_space<hbm>>) dst(%arg5 : memref<1600xi32, #tpu.memory_space<vmem>>)
    %dma_start3A_205 = arith.constant 0 : i32
    %dma_start3A_206 = arith.constant 0 : i32
    %dma_start3A_207 = tpu.memref_slice %arg3[%dma_start3A_205, %dma_start3A_206] : memref<1000000x32xf32, #tpu.memory_space<hbm>> -> memref<1000000x32xf32, #tpu.memory_space<hbm>>
    tpu.enqueue_indirect_dma source(%dma_start3A_207 : memref<1000000x32xf32, #tpu.memory_space<hbm>>) target(%arg7 : memref<1600x32xf32, #tpu.memory_space<vmem>>) offsets(%arg5 : memref<1600xi32, #tpu.memory_space<vmem>>) semaphore(%arg11 : memref<!tpu.dma_semaphore, #tpu.memory_space<semaphore_mem>>)
    %add3A_208 = arith.constant 11200 : i32
    %add3A_209 = arith.addi %mul3A_2, %add3A_208 : i32
    %dma_start3A_210 = arith.constant 0 : i32
    %dma_start3A_211 = tpu.memref_slice %arg4[%add3A_209, %dma_start3A_210] : memref<819200x32xf32, #tpu.memory_space<hbm>> -> memref<1600x32xf32, #tpu.memory_space<hbm>>
    %dma_start3A_212 = arith.constant 0 : i32
    %dma_start3A_213 = tpu.memref_slice %arg4[%add3A_209, %dma_start3A_212] : memref<819200x32xf32, #tpu.memory_space<hbm>> -> memref<1600x32xf32, #tpu.memory_space<hbm>>
    tpu.enqueue_dma source(%arg8 : memref<1600x32xf32, #tpu.memory_space<vmem>>) target(%dma_start3A_213 : memref<1600x32xf32, #tpu.memory_space<hbm>>) target_semaphore(%arg14 : memref<!tpu.dma_semaphore, #tpu.memory_space<semaphore_mem>>)
    %add3A_214 = arith.constant 14400 : i32
    %add3A_215 = arith.addi %mul3A_2, %add3A_214 : i32
    %dma_start3A_216 = tpu.memref_slice %arg2[%add3A_215] : memref<819200xi32, #tpu.memory_space<hbm>> -> memref<1600xi32, #tpu.memory_space<hbm>>
    %dma_start3A_217 = tpu.memref_slice %arg2[%add3A_215] : memref<819200xi32, #tpu.memory_space<hbm>> -> memref<1600xi32, #tpu.memory_space<hbm>>
    tpu.enqueue_dma source(%dma_start3A_217 : memref<1600xi32, #tpu.memory_space<hbm>>) target(%arg6 : memref<1600xi32, #tpu.memory_space<vmem>>) target_semaphore(%arg10 : memref<!tpu.dma_semaphore, #tpu.memory_space<semaphore_mem>>)
    %dma_wait3A_218 = arith.constant 0 : i32
    %dma_wait3A_219 = arith.constant 0 : i32
    %dma_wait3A_220 = tpu.memref_slice %arg3[%dma_wait3A_218, %dma_wait3A_219] : memref<1000000x32xf32, #tpu.memory_space<hbm>> -> memref<1000000x32xf32, #tpu.memory_space<hbm>>
    tpu.wait_indirect_dma semaphore(%arg11 : memref<!tpu.dma_semaphore, #tpu.memory_space<semaphore_mem>>) src(%dma_wait3A_220 : memref<1000000x32xf32, #tpu.memory_space<hbm>>) dst(%arg7 : memref<1600x32xf32, #tpu.memory_space<vmem>>)
    %add3A_221 = arith.constant 11200 : i32
    %add3A_222 = arith.addi %mul3A_2, %add3A_221 : i32
    %dma_wait3A_223 = arith.constant 0 : i32
    %dma_wait3A_224 = tpu.memref_slice %arg4[%add3A_222, %dma_wait3A_223] : memref<819200x32xf32, #tpu.memory_space<hbm>> -> memref<1600x32xf32, #tpu.memory_space<hbm>>
    %dma_wait3A_225 = arith.constant 0 : i32
    %dma_wait3A_226 = tpu.memref_slice %arg4[%add3A_222, %dma_wait3A_225] : memref<819200x32xf32, #tpu.memory_space<hbm>> -> memref<1600x32xf32, #tpu.memory_space<hbm>>
    tpu.wait_dma2 semaphore(%arg14 : memref<!tpu.dma_semaphore, #tpu.memory_space<semaphore_mem>>) src(%arg8 : memref<1600x32xf32, #tpu.memory_space<vmem>>) dst(%dma_wait3A_226 : memref<1600x32xf32, #tpu.memory_space<hbm>>)
    %add3A_227 = arith.constant 14400 : i32
    %add3A_228 = arith.addi %mul3A_2, %add3A_227 : i32
    %dma_wait3A_229 = tpu.memref_slice %arg2[%add3A_228] : memref<819200xi32, #tpu.memory_space<hbm>> -> memref<1600xi32, #tpu.memory_space<hbm>>
    %dma_wait3A_230 = tpu.memref_slice %arg2[%add3A_228] : memref<819200xi32, #tpu.memory_space<hbm>> -> memref<1600xi32, #tpu.memory_space<hbm>>
    tpu.wait_dma2 semaphore(%arg10 : memref<!tpu.dma_semaphore, #tpu.memory_space<semaphore_mem>>) src(%dma_wait3A_230 : memref<1600xi32, #tpu.memory_space<hbm>>) dst(%arg6 : memref<1600xi32, #tpu.memory_space<vmem>>)
    %dma_start3A_231 = arith.constant 0 : i32
    %dma_start3A_232 = arith.constant 0 : i32
    %dma_start3A_233 = tpu.memref_slice %arg3[%dma_start3A_231, %dma_start3A_232] : memref<1000000x32xf32, #tpu.memory_space<hbm>> -> memref<1000000x32xf32, #tpu.memory_space<hbm>>
    tpu.enqueue_indirect_dma source(%dma_start3A_233 : memref<1000000x32xf32, #tpu.memory_space<hbm>>) target(%arg8 : memref<1600x32xf32, #tpu.memory_space<vmem>>) offsets(%arg6 : memref<1600xi32, #tpu.memory_space<vmem>>) semaphore(%arg12 : memref<!tpu.dma_semaphore, #tpu.memory_space<semaphore_mem>>)
    %add3A_234 = arith.constant 12800 : i32
    %add3A_235 = arith.addi %mul3A_2, %add3A_234 : i32
    %dma_start3A_236 = arith.constant 0 : i32
    %dma_start3A_237 = tpu.memref_slice %arg4[%add3A_235, %dma_start3A_236] : memref<819200x32xf32, #tpu.memory_space<hbm>> -> memref<1600x32xf32, #tpu.memory_space<hbm>>
    %dma_start3A_238 = arith.constant 0 : i32
    %dma_start3A_239 = tpu.memref_slice %arg4[%add3A_235, %dma_start3A_238] : memref<819200x32xf32, #tpu.memory_space<hbm>> -> memref<1600x32xf32, #tpu.memory_space<hbm>>
    tpu.enqueue_dma source(%arg7 : memref<1600x32xf32, #tpu.memory_space<vmem>>) target(%dma_start3A_239 : memref<1600x32xf32, #tpu.memory_space<hbm>>) target_semaphore(%arg13 : memref<!tpu.dma_semaphore, #tpu.memory_space<semaphore_mem>>)
    %add3A_240 = arith.constant 16000 : i32
    %add3A_241 = arith.addi %mul3A_2, %add3A_240 : i32
    %dma_start3A_242 = tpu.memref_slice %arg2[%add3A_241] : memref<819200xi32, #tpu.memory_space<hbm>> -> memref<1600xi32, #tpu.memory_space<hbm>>
    %dma_start3A_243 = tpu.memref_slice %arg2[%add3A_241] : memref<819200xi32, #tpu.memory_space<hbm>> -> memref<1600xi32, #tpu.memory_space<hbm>>
    tpu.enqueue_dma source(%dma_start3A_243 : memref<1600xi32, #tpu.memory_space<hbm>>) target(%arg5 : memref<1600xi32, #tpu.memory_space<vmem>>) target_semaphore(%arg9 : memref<!tpu.dma_semaphore, #tpu.memory_space<semaphore_mem>>)
    %dma_wait3A_244 = arith.constant 0 : i32
    %dma_wait3A_245 = arith.constant 0 : i32
    %dma_wait3A_246 = tpu.memref_slice %arg3[%dma_wait3A_244, %dma_wait3A_245] : memref<1000000x32xf32, #tpu.memory_space<hbm>> -> memref<1000000x32xf32, #tpu.memory_space<hbm>>
    tpu.wait_indirect_dma semaphore(%arg12 : memref<!tpu.dma_semaphore, #tpu.memory_space<semaphore_mem>>) src(%dma_wait3A_246 : memref<1000000x32xf32, #tpu.memory_space<hbm>>) dst(%arg8 : memref<1600x32xf32, #tpu.memory_space<vmem>>)
    %add3A_247 = arith.constant 12800 : i32
    %add3A_248 = arith.addi %mul3A_2, %add3A_247 : i32
    %dma_wait3A_249 = arith.constant 0 : i32
    %dma_wait3A_250 = tpu.memref_slice %arg4[%add3A_248, %dma_wait3A_249] : memref<819200x32xf32, #tpu.memory_space<hbm>> -> memref<1600x32xf32, #tpu.memory_space<hbm>>
    %dma_wait3A_251 = arith.constant 0 : i32
    %dma_wait3A_252 = tpu.memref_slice %arg4[%add3A_248, %dma_wait3A_251] : memref<819200x32xf32, #tpu.memory_space<hbm>> -> memref<1600x32xf32, #tpu.memory_space<hbm>>
    tpu.wait_dma2 semaphore(%arg13 : memref<!tpu.dma_semaphore, #tpu.memory_space<semaphore_mem>>) src(%arg7 : memref<1600x32xf32, #tpu.memory_space<vmem>>) dst(%dma_wait3A_252 : memref<1600x32xf32, #tpu.memory_space<hbm>>)
    %add3A_253 = arith.constant 16000 : i32
    %add3A_254 = arith.addi %mul3A_2, %add3A_253 : i32
    %dma_wait3A_255 = tpu.memref_slice %arg2[%add3A_254] : memref<819200xi32, #tpu.memory_space<hbm>> -> memref<1600xi32, #tpu.memory_space<hbm>>
    %dma_wait3A_256 = tpu.memref_slice %arg2[%add3A_254] : memref<819200xi32, #tpu.memory_space<hbm>> -> memref<1600xi32, #tpu.memory_space<hbm>>
    tpu.wait_dma2 semaphore(%arg9 : memref<!tpu.dma_semaphore, #tpu.memory_space<semaphore_mem>>) src(%dma_wait3A_256 : memref<1600xi32, #tpu.memory_space<hbm>>) dst(%arg5 : memref<1600xi32, #tpu.memory_space<vmem>>)
    %dma_start3A_257 = arith.constant 0 : i32
    %dma_start3A_258 = arith.constant 0 : i32
    %dma_start3A_259 = tpu.memref_slice %arg3[%dma_start3A_257, %dma_start3A_258] : memref<1000000x32xf32, #tpu.memory_space<hbm>> -> memref<1000000x32xf32, #tpu.memory_space<hbm>>
    tpu.enqueue_indirect_dma source(%dma_start3A_259 : memref<1000000x32xf32, #tpu.memory_space<hbm>>) target(%arg7 : memref<1600x32xf32, #tpu.memory_space<vmem>>) offsets(%arg5 : memref<1600xi32, #tpu.memory_space<vmem>>) semaphore(%arg11 : memref<!tpu.dma_semaphore, #tpu.memory_space<semaphore_mem>>)
    %add3A_260 = arith.constant 14400 : i32
    %add3A_261 = arith.addi %mul3A_2, %add3A_260 : i32
    %dma_start3A_262 = arith.constant 0 : i32
    %dma_start3A_263 = tpu.memref_slice %arg4[%add3A_261, %dma_start3A_262] : memref<819200x32xf32, #tpu.memory_space<hbm>> -> memref<1600x32xf32, #tpu.memory_space<hbm>>
    %dma_start3A_264 = arith.constant 0 : i32
    %dma_start3A_265 = tpu.memref_slice %arg4[%add3A_261, %dma_start3A_264] : memref<819200x32xf32, #tpu.memory_space<hbm>> -> memref<1600x32xf32, #tpu.memory_space<hbm>>
    tpu.enqueue_dma source(%arg8 : memref<1600x32xf32, #tpu.memory_space<vmem>>) target(%dma_start3A_265 : memref<1600x32xf32, #tpu.memory_space<hbm>>) target_semaphore(%arg14 : memref<!tpu.dma_semaphore, #tpu.memory_space<semaphore_mem>>)
    %add3A_266 = arith.constant 17600 : i32
    %add3A_267 = arith.addi %mul3A_2, %add3A_266 : i32
    %dma_start3A_268 = tpu.memref_slice %arg2[%add3A_267] : memref<819200xi32, #tpu.memory_space<hbm>> -> memref<1600xi32, #tpu.memory_space<hbm>>
    %dma_start3A_269 = tpu.memref_slice %arg2[%add3A_267] : memref<819200xi32, #tpu.memory_space<hbm>> -> memref<1600xi32, #tpu.memory_space<hbm>>
    tpu.enqueue_dma source(%dma_start3A_269 : memref<1600xi32, #tpu.memory_space<hbm>>) target(%arg6 : memref<1600xi32, #tpu.memory_space<vmem>>) target_semaphore(%arg10 : memref<!tpu.dma_semaphore, #tpu.memory_space<semaphore_mem>>)
    %dma_wait3A_270 = arith.constant 0 : i32
    %dma_wait3A_271 = arith.constant 0 : i32
    %dma_wait3A_272 = tpu.memref_slice %arg3[%dma_wait3A_270, %dma_wait3A_271] : memref<1000000x32xf32, #tpu.memory_space<hbm>> -> memref<1000000x32xf32, #tpu.memory_space<hbm>>
    tpu.wait_indirect_dma semaphore(%arg11 : memref<!tpu.dma_semaphore, #tpu.memory_space<semaphore_mem>>) src(%dma_wait3A_272 : memref<1000000x32xf32, #tpu.memory_space<hbm>>) dst(%arg7 : memref<1600x32xf32, #tpu.memory_space<vmem>>)
    %add3A_273 = arith.constant 14400 : i32
    %add3A_274 = arith.addi %mul3A_2, %add3A_273 : i32
    %dma_wait3A_275 = arith.constant 0 : i32
    %dma_wait3A_276 = tpu.memref_slice %arg4[%add3A_274, %dma_wait3A_275] : memref<819200x32xf32, #tpu.memory_space<hbm>> -> memref<1600x32xf32, #tpu.memory_space<hbm>>
    %dma_wait3A_277 = arith.constant 0 : i32
    %dma_wait3A_278 = tpu.memref_slice %arg4[%add3A_274, %dma_wait3A_277] : memref<819200x32xf32, #tpu.memory_space<hbm>> -> memref<1600x32xf32, #tpu.memory_space<hbm>>
    tpu.wait_dma2 semaphore(%arg14 : memref<!tpu.dma_semaphore, #tpu.memory_space<semaphore_mem>>) src(%arg8 : memref<1600x32xf32, #tpu.memory_space<vmem>>) dst(%dma_wait3A_278 : memref<1600x32xf32, #tpu.memory_space<hbm>>)
    %add3A_279 = arith.constant 17600 : i32
    %add3A_280 = arith.addi %mul3A_2, %add3A_279 : i32
    %dma_wait3A_281 = tpu.memref_slice %arg2[%add3A_280] : memref<819200xi32, #tpu.memory_space<hbm>> -> memref<1600xi32, #tpu.memory_space<hbm>>
    %dma_wait3A_282 = tpu.memref_slice %arg2[%add3A_280] : memref<819200xi32, #tpu.memory_space<hbm>> -> memref<1600xi32, #tpu.memory_space<hbm>>
    tpu.wait_dma2 semaphore(%arg10 : memref<!tpu.dma_semaphore, #tpu.memory_space<semaphore_mem>>) src(%dma_wait3A_282 : memref<1600xi32, #tpu.memory_space<hbm>>) dst(%arg6 : memref<1600xi32, #tpu.memory_space<vmem>>)
    %dma_start3A_283 = arith.constant 0 : i32
    %dma_start3A_284 = arith.constant 0 : i32
    %dma_start3A_285 = tpu.memref_slice %arg3[%dma_start3A_283, %dma_start3A_284] : memref<1000000x32xf32, #tpu.memory_space<hbm>> -> memref<1000000x32xf32, #tpu.memory_space<hbm>>
    tpu.enqueue_indirect_dma source(%dma_start3A_285 : memref<1000000x32xf32, #tpu.memory_space<hbm>>) target(%arg8 : memref<1600x32xf32, #tpu.memory_space<vmem>>) offsets(%arg6 : memref<1600xi32, #tpu.memory_space<vmem>>) semaphore(%arg12 : memref<!tpu.dma_semaphore, #tpu.memory_space<semaphore_mem>>)
    %add3A_286 = arith.constant 16000 : i32
    %add3A_287 = arith.addi %mul3A_2, %add3A_286 : i32
    %dma_start3A_288 = arith.constant 0 : i32
    %dma_start3A_289 = tpu.memref_slice %arg4[%add3A_287, %dma_start3A_288] : memref<819200x32xf32, #tpu.memory_space<hbm>> -> memref<1600x32xf32, #tpu.memory_space<hbm>>
    %dma_start3A_290 = arith.constant 0 : i32
    %dma_start3A_291 = tpu.memref_slice %arg4[%add3A_287, %dma_start3A_290] : memref<819200x32xf32, #tpu.memory_space<hbm>> -> memref<1600x32xf32, #tpu.memory_space<hbm>>
    tpu.enqueue_dma source(%arg7 : memref<1600x32xf32, #tpu.memory_space<vmem>>) target(%dma_start3A_291 : memref<1600x32xf32, #tpu.memory_space<hbm>>) target_semaphore(%arg13 : memref<!tpu.dma_semaphore, #tpu.memory_space<semaphore_mem>>)
    %add3A_292 = arith.constant 19200 : i32
    %add3A_293 = arith.addi %mul3A_2, %add3A_292 : i32
    %dma_start3A_294 = tpu.memref_slice %arg2[%add3A_293] : memref<819200xi32, #tpu.memory_space<hbm>> -> memref<1600xi32, #tpu.memory_space<hbm>>
    %dma_start3A_295 = tpu.memref_slice %arg2[%add3A_293] : memref<819200xi32, #tpu.memory_space<hbm>> -> memref<1600xi32, #tpu.memory_space<hbm>>
    tpu.enqueue_dma source(%dma_start3A_295 : memref<1600xi32, #tpu.memory_space<hbm>>) target(%arg5 : memref<1600xi32, #tpu.memory_space<vmem>>) target_semaphore(%arg9 : memref<!tpu.dma_semaphore, #tpu.memory_space<semaphore_mem>>)
    %dma_wait3A_296 = arith.constant 0 : i32
    %dma_wait3A_297 = arith.constant 0 : i32
    %dma_wait3A_298 = tpu.memref_slice %arg3[%dma_wait3A_296, %dma_wait3A_297] : memref<1000000x32xf32, #tpu.memory_space<hbm>> -> memref<1000000x32xf32, #tpu.memory_space<hbm>>
    tpu.wait_indirect_dma semaphore(%arg12 : memref<!tpu.dma_semaphore, #tpu.memory_space<semaphore_mem>>) src(%dma_wait3A_298 : memref<1000000x32xf32, #tpu.memory_space<hbm>>) dst(%arg8 : memref<1600x32xf32, #tpu.memory_space<vmem>>)
    %add3A_299 = arith.constant 16000 : i32
    %add3A_300 = arith.addi %mul3A_2, %add3A_299 : i32
    %dma_wait3A_301 = arith.constant 0 : i32
    %dma_wait3A_302 = tpu.memref_slice %arg4[%add3A_300, %dma_wait3A_301] : memref<819200x32xf32, #tpu.memory_space<hbm>> -> memref<1600x32xf32, #tpu.memory_space<hbm>>
    %dma_wait3A_303 = arith.constant 0 : i32
    %dma_wait3A_304 = tpu.memref_slice %arg4[%add3A_300, %dma_wait3A_303] : memref<819200x32xf32, #tpu.memory_space<hbm>> -> memref<1600x32xf32, #tpu.memory_space<hbm>>
    tpu.wait_dma2 semaphore(%arg13 : memref<!tpu.dma_semaphore, #tpu.memory_space<semaphore_mem>>) src(%arg7 : memref<1600x32xf32, #tpu.memory_space<vmem>>) dst(%dma_wait3A_304 : memref<1600x32xf32, #tpu.memory_space<hbm>>)
    %add3A_305 = arith.constant 19200 : i32
    %add3A_306 = arith.addi %mul3A_2, %add3A_305 : i32
    %dma_wait3A_307 = tpu.memref_slice %arg2[%add3A_306] : memref<819200xi32, #tpu.memory_space<hbm>> -> memref<1600xi32, #tpu.memory_space<hbm>>
    %dma_wait3A_308 = tpu.memref_slice %arg2[%add3A_306] : memref<819200xi32, #tpu.memory_space<hbm>> -> memref<1600xi32, #tpu.memory_space<hbm>>
    tpu.wait_dma2 semaphore(%arg9 : memref<!tpu.dma_semaphore, #tpu.memory_space<semaphore_mem>>) src(%dma_wait3A_308 : memref<1600xi32, #tpu.memory_space<hbm>>) dst(%arg5 : memref<1600xi32, #tpu.memory_space<vmem>>)
    %dma_start3A_309 = arith.constant 0 : i32
    %dma_start3A_310 = arith.constant 0 : i32
    %dma_start3A_311 = tpu.memref_slice %arg3[%dma_start3A_309, %dma_start3A_310] : memref<1000000x32xf32, #tpu.memory_space<hbm>> -> memref<1000000x32xf32, #tpu.memory_space<hbm>>
    tpu.enqueue_indirect_dma source(%dma_start3A_311 : memref<1000000x32xf32, #tpu.memory_space<hbm>>) target(%arg7 : memref<1600x32xf32, #tpu.memory_space<vmem>>) offsets(%arg5 : memref<1600xi32, #tpu.memory_space<vmem>>) semaphore(%arg11 : memref<!tpu.dma_semaphore, #tpu.memory_space<semaphore_mem>>)
    %add3A_312 = arith.constant 17600 : i32
    %add3A_313 = arith.addi %mul3A_2, %add3A_312 : i32
    %dma_start3A_314 = arith.constant 0 : i32
    %dma_start3A_315 = tpu.memref_slice %arg4[%add3A_313, %dma_start3A_314] : memref<819200x32xf32, #tpu.memory_space<hbm>> -> memref<1600x32xf32, #tpu.memory_space<hbm>>
    %dma_start3A_316 = arith.constant 0 : i32
    %dma_start3A_317 = tpu.memref_slice %arg4[%add3A_313, %dma_start3A_316] : memref<819200x32xf32, #tpu.memory_space<hbm>> -> memref<1600x32xf32, #tpu.memory_space<hbm>>
    tpu.enqueue_dma source(%arg8 : memref<1600x32xf32, #tpu.memory_space<vmem>>) target(%dma_start3A_317 : memref<1600x32xf32, #tpu.memory_space<hbm>>) target_semaphore(%arg14 : memref<!tpu.dma_semaphore, #tpu.memory_space<semaphore_mem>>)
    %add3A_318 = arith.constant 20800 : i32
    %add3A_319 = arith.addi %mul3A_2, %add3A_318 : i32
    %dma_start3A_320 = tpu.memref_slice %arg2[%add3A_319] : memref<819200xi32, #tpu.memory_space<hbm>> -> memref<1600xi32, #tpu.memory_space<hbm>>
    %dma_start3A_321 = tpu.memref_slice %arg2[%add3A_319] : memref<819200xi32, #tpu.memory_space<hbm>> -> memref<1600xi32, #tpu.memory_space<hbm>>
    tpu.enqueue_dma source(%dma_start3A_321 : memref<1600xi32, #tpu.memory_space<hbm>>) target(%arg6 : memref<1600xi32, #tpu.memory_space<vmem>>) target_semaphore(%arg10 : memref<!tpu.dma_semaphore, #tpu.memory_space<semaphore_mem>>)
    %dma_wait3A_322 = arith.constant 0 : i32
    %dma_wait3A_323 = arith.constant 0 : i32
    %dma_wait3A_324 = tpu.memref_slice %arg3[%dma_wait3A_322, %dma_wait3A_323] : memref<1000000x32xf32, #tpu.memory_space<hbm>> -> memref<1000000x32xf32, #tpu.memory_space<hbm>>
    tpu.wait_indirect_dma semaphore(%arg11 : memref<!tpu.dma_semaphore, #tpu.memory_space<semaphore_mem>>) src(%dma_wait3A_324 : memref<1000000x32xf32, #tpu.memory_space<hbm>>) dst(%arg7 : memref<1600x32xf32, #tpu.memory_space<vmem>>)
    %add3A_325 = arith.constant 17600 : i32
    %add3A_326 = arith.addi %mul3A_2, %add3A_325 : i32
    %dma_wait3A_327 = arith.constant 0 : i32
    %dma_wait3A_328 = tpu.memref_slice %arg4[%add3A_326, %dma_wait3A_327] : memref<819200x32xf32, #tpu.memory_space<hbm>> -> memref<1600x32xf32, #tpu.memory_space<hbm>>
    %dma_wait3A_329 = arith.constant 0 : i32
    %dma_wait3A_330 = tpu.memref_slice %arg4[%add3A_326, %dma_wait3A_329] : memref<819200x32xf32, #tpu.memory_space<hbm>> -> memref<1600x32xf32, #tpu.memory_space<hbm>>
    tpu.wait_dma2 semaphore(%arg14 : memref<!tpu.dma_semaphore, #tpu.memory_space<semaphore_mem>>) src(%arg8 : memref<1600x32xf32, #tpu.memory_space<vmem>>) dst(%dma_wait3A_330 : memref<1600x32xf32, #tpu.memory_space<hbm>>)
    %add3A_331 = arith.constant 20800 : i32
    %add3A_332 = arith.addi %mul3A_2, %add3A_331 : i32
    %dma_wait3A_333 = tpu.memref_slice %arg2[%add3A_332] : memref<819200xi32, #tpu.memory_space<hbm>> -> memref<1600xi32, #tpu.memory_space<hbm>>
    %dma_wait3A_334 = tpu.memref_slice %arg2[%add3A_332] : memref<819200xi32, #tpu.memory_space<hbm>> -> memref<1600xi32, #tpu.memory_space<hbm>>
    tpu.wait_dma2 semaphore(%arg10 : memref<!tpu.dma_semaphore, #tpu.memory_space<semaphore_mem>>) src(%dma_wait3A_334 : memref<1600xi32, #tpu.memory_space<hbm>>) dst(%arg6 : memref<1600xi32, #tpu.memory_space<vmem>>)
    %dma_start3A_335 = arith.constant 0 : i32
    %dma_start3A_336 = arith.constant 0 : i32
    %dma_start3A_337 = tpu.memref_slice %arg3[%dma_start3A_335, %dma_start3A_336] : memref<1000000x32xf32, #tpu.memory_space<hbm>> -> memref<1000000x32xf32, #tpu.memory_space<hbm>>
    tpu.enqueue_indirect_dma source(%dma_start3A_337 : memref<1000000x32xf32, #tpu.memory_space<hbm>>) target(%arg8 : memref<1600x32xf32, #tpu.memory_space<vmem>>) offsets(%arg6 : memref<1600xi32, #tpu.memory_space<vmem>>) semaphore(%arg12 : memref<!tpu.dma_semaphore, #tpu.memory_space<semaphore_mem>>)
    %add3A_338 = arith.constant 19200 : i32
    %add3A_339 = arith.addi %mul3A_2, %add3A_338 : i32
    %dma_start3A_340 = arith.constant 0 : i32
    %dma_start3A_341 = tpu.memref_slice %arg4[%add3A_339, %dma_start3A_340] : memref<819200x32xf32, #tpu.memory_space<hbm>> -> memref<1600x32xf32, #tpu.memory_space<hbm>>
    %dma_start3A_342 = arith.constant 0 : i32
    %dma_start3A_343 = tpu.memref_slice %arg4[%add3A_339, %dma_start3A_342] : memref<819200x32xf32, #tpu.memory_space<hbm>> -> memref<1600x32xf32, #tpu.memory_space<hbm>>
    tpu.enqueue_dma source(%arg7 : memref<1600x32xf32, #tpu.memory_space<vmem>>) target(%dma_start3A_343 : memref<1600x32xf32, #tpu.memory_space<hbm>>) target_semaphore(%arg13 : memref<!tpu.dma_semaphore, #tpu.memory_space<semaphore_mem>>)
    %add3A_344 = arith.constant 22400 : i32
    %add3A_345 = arith.addi %mul3A_2, %add3A_344 : i32
    %dma_start3A_346 = tpu.memref_slice %arg2[%add3A_345] : memref<819200xi32, #tpu.memory_space<hbm>> -> memref<1600xi32, #tpu.memory_space<hbm>>
    %dma_start3A_347 = tpu.memref_slice %arg2[%add3A_345] : memref<819200xi32, #tpu.memory_space<hbm>> -> memref<1600xi32, #tpu.memory_space<hbm>>
    tpu.enqueue_dma source(%dma_start3A_347 : memref<1600xi32, #tpu.memory_space<hbm>>) target(%arg5 : memref<1600xi32, #tpu.memory_space<vmem>>) target_semaphore(%arg9 : memref<!tpu.dma_semaphore, #tpu.memory_space<semaphore_mem>>)
    %dma_wait3A_348 = arith.constant 0 : i32
    %dma_wait3A_349 = arith.constant 0 : i32
    %dma_wait3A_350 = tpu.memref_slice %arg3[%dma_wait3A_348, %dma_wait3A_349] : memref<1000000x32xf32, #tpu.memory_space<hbm>> -> memref<1000000x32xf32, #tpu.memory_space<hbm>>
    tpu.wait_indirect_dma semaphore(%arg12 : memref<!tpu.dma_semaphore, #tpu.memory_space<semaphore_mem>>) src(%dma_wait3A_350 : memref<1000000x32xf32, #tpu.memory_space<hbm>>) dst(%arg8 : memref<1600x32xf32, #tpu.memory_space<vmem>>)
    %add3A_351 = arith.constant 19200 : i32
    %add3A_352 = arith.addi %mul3A_2, %add3A_351 : i32
    %dma_wait3A_353 = arith.constant 0 : i32
    %dma_wait3A_354 = tpu.memref_slice %arg4[%add3A_352, %dma_wait3A_353] : memref<819200x32xf32, #tpu.memory_space<hbm>> -> memref<1600x32xf32, #tpu.memory_space<hbm>>
    %dma_wait3A_355 = arith.constant 0 : i32
    %dma_wait3A_356 = tpu.memref_slice %arg4[%add3A_352, %dma_wait3A_355] : memref<819200x32xf32, #tpu.memory_space<hbm>> -> memref<1600x32xf32, #tpu.memory_space<hbm>>
    tpu.wait_dma2 semaphore(%arg13 : memref<!tpu.dma_semaphore, #tpu.memory_space<semaphore_mem>>) src(%arg7 : memref<1600x32xf32, #tpu.memory_space<vmem>>) dst(%dma_wait3A_356 : memref<1600x32xf32, #tpu.memory_space<hbm>>)
    %add3A_357 = arith.constant 22400 : i32
    %add3A_358 = arith.addi %mul3A_2, %add3A_357 : i32
    %dma_wait3A_359 = tpu.memref_slice %arg2[%add3A_358] : memref<819200xi32, #tpu.memory_space<hbm>> -> memref<1600xi32, #tpu.memory_space<hbm>>
    %dma_wait3A_360 = tpu.memref_slice %arg2[%add3A_358] : memref<819200xi32, #tpu.memory_space<hbm>> -> memref<1600xi32, #tpu.memory_space<hbm>>
    tpu.wait_dma2 semaphore(%arg9 : memref<!tpu.dma_semaphore, #tpu.memory_space<semaphore_mem>>) src(%dma_wait3A_360 : memref<1600xi32, #tpu.memory_space<hbm>>) dst(%arg5 : memref<1600xi32, #tpu.memory_space<vmem>>)
    %dma_start3A_361 = arith.constant 0 : i32
    %dma_start3A_362 = arith.constant 0 : i32
    %dma_start3A_363 = tpu.memref_slice %arg3[%dma_start3A_361, %dma_start3A_362] : memref<1000000x32xf32, #tpu.memory_space<hbm>> -> memref<1000000x32xf32, #tpu.memory_space<hbm>>
    tpu.enqueue_indirect_dma source(%dma_start3A_363 : memref<1000000x32xf32, #tpu.memory_space<hbm>>) target(%arg7 : memref<1600x32xf32, #tpu.memory_space<vmem>>) offsets(%arg5 : memref<1600xi32, #tpu.memory_space<vmem>>) semaphore(%arg11 : memref<!tpu.dma_semaphore, #tpu.memory_space<semaphore_mem>>)
    %add3A_364 = arith.constant 20800 : i32
    %add3A_365 = arith.addi %mul3A_2, %add3A_364 : i32
    %dma_start3A_366 = arith.constant 0 : i32
    %dma_start3A_367 = tpu.memref_slice %arg4[%add3A_365, %dma_start3A_366] : memref<819200x32xf32, #tpu.memory_space<hbm>> -> memref<1600x32xf32, #tpu.memory_space<hbm>>
    %dma_start3A_368 = arith.constant 0 : i32
    %dma_start3A_369 = tpu.memref_slice %arg4[%add3A_365, %dma_start3A_368] : memref<819200x32xf32, #tpu.memory_space<hbm>> -> memref<1600x32xf32, #tpu.memory_space<hbm>>
    tpu.enqueue_dma source(%arg8 : memref<1600x32xf32, #tpu.memory_space<vmem>>) target(%dma_start3A_369 : memref<1600x32xf32, #tpu.memory_space<hbm>>) target_semaphore(%arg14 : memref<!tpu.dma_semaphore, #tpu.memory_space<semaphore_mem>>)
    %add3A_370 = arith.constant 24000 : i32
    %add3A_371 = arith.addi %mul3A_2, %add3A_370 : i32
    %dma_start3A_372 = tpu.memref_slice %arg2[%add3A_371] : memref<819200xi32, #tpu.memory_space<hbm>> -> memref<1600xi32, #tpu.memory_space<hbm>>
    %dma_start3A_373 = tpu.memref_slice %arg2[%add3A_371] : memref<819200xi32, #tpu.memory_space<hbm>> -> memref<1600xi32, #tpu.memory_space<hbm>>
    tpu.enqueue_dma source(%dma_start3A_373 : memref<1600xi32, #tpu.memory_space<hbm>>) target(%arg6 : memref<1600xi32, #tpu.memory_space<vmem>>) target_semaphore(%arg10 : memref<!tpu.dma_semaphore, #tpu.memory_space<semaphore_mem>>)
    %dma_wait3A_374 = arith.constant 0 : i32
    %dma_wait3A_375 = arith.constant 0 : i32
    %dma_wait3A_376 = tpu.memref_slice %arg3[%dma_wait3A_374, %dma_wait3A_375] : memref<1000000x32xf32, #tpu.memory_space<hbm>> -> memref<1000000x32xf32, #tpu.memory_space<hbm>>
    tpu.wait_indirect_dma semaphore(%arg11 : memref<!tpu.dma_semaphore, #tpu.memory_space<semaphore_mem>>) src(%dma_wait3A_376 : memref<1000000x32xf32, #tpu.memory_space<hbm>>) dst(%arg7 : memref<1600x32xf32, #tpu.memory_space<vmem>>)
    %add3A_377 = arith.constant 20800 : i32
    %add3A_378 = arith.addi %mul3A_2, %add3A_377 : i32
    %dma_wait3A_379 = arith.constant 0 : i32
    %dma_wait3A_380 = tpu.memref_slice %arg4[%add3A_378, %dma_wait3A_379] : memref<819200x32xf32, #tpu.memory_space<hbm>> -> memref<1600x32xf32, #tpu.memory_space<hbm>>
    %dma_wait3A_381 = arith.constant 0 : i32
    %dma_wait3A_382 = tpu.memref_slice %arg4[%add3A_378, %dma_wait3A_381] : memref<819200x32xf32, #tpu.memory_space<hbm>> -> memref<1600x32xf32, #tpu.memory_space<hbm>>
    tpu.wait_dma2 semaphore(%arg14 : memref<!tpu.dma_semaphore, #tpu.memory_space<semaphore_mem>>) src(%arg8 : memref<1600x32xf32, #tpu.memory_space<vmem>>) dst(%dma_wait3A_382 : memref<1600x32xf32, #tpu.memory_space<hbm>>)
    %add3A_383 = arith.constant 24000 : i32
    %add3A_384 = arith.addi %mul3A_2, %add3A_383 : i32
    %dma_wait3A_385 = tpu.memref_slice %arg2[%add3A_384] : memref<819200xi32, #tpu.memory_space<hbm>> -> memref<1600xi32, #tpu.memory_space<hbm>>
    %dma_wait3A_386 = tpu.memref_slice %arg2[%add3A_384] : memref<819200xi32, #tpu.memory_space<hbm>> -> memref<1600xi32, #tpu.memory_space<hbm>>
    tpu.wait_dma2 semaphore(%arg10 : memref<!tpu.dma_semaphore, #tpu.memory_space<semaphore_mem>>) src(%dma_wait3A_386 : memref<1600xi32, #tpu.memory_space<hbm>>) dst(%arg6 : memref<1600xi32, #tpu.memory_space<vmem>>)
    %dma_start3A_387 = arith.constant 0 : i32
    %dma_start3A_388 = arith.constant 0 : i32
    %dma_start3A_389 = tpu.memref_slice %arg3[%dma_start3A_387, %dma_start3A_388] : memref<1000000x32xf32, #tpu.memory_space<hbm>> -> memref<1000000x32xf32, #tpu.memory_space<hbm>>
    tpu.enqueue_indirect_dma source(%dma_start3A_389 : memref<1000000x32xf32, #tpu.memory_space<hbm>>) target(%arg8 : memref<1600x32xf32, #tpu.memory_space<vmem>>) offsets(%arg6 : memref<1600xi32, #tpu.memory_space<vmem>>) semaphore(%arg12 : memref<!tpu.dma_semaphore, #tpu.memory_space<semaphore_mem>>)
    %add3A_390 = arith.constant 22400 : i32
    %add3A_391 = arith.addi %mul3A_2, %add3A_390 : i32
    %dma_start3A_392 = arith.constant 0 : i32
    %dma_start3A_393 = tpu.memref_slice %arg4[%add3A_391, %dma_start3A_392] : memref<819200x32xf32, #tpu.memory_space<hbm>> -> memref<1600x32xf32, #tpu.memory_space<hbm>>
    %dma_start3A_394 = arith.constant 0 : i32
    %dma_start3A_395 = tpu.memref_slice %arg4[%add3A_391, %dma_start3A_394] : memref<819200x32xf32, #tpu.memory_space<hbm>> -> memref<1600x32xf32, #tpu.memory_space<hbm>>
    tpu.enqueue_dma source(%arg7 : memref<1600x32xf32, #tpu.memory_space<vmem>>) target(%dma_start3A_395 : memref<1600x32xf32, #tpu.memory_space<hbm>>) target_semaphore(%arg13 : memref<!tpu.dma_semaphore, #tpu.memory_space<semaphore_mem>>)
    %dma_wait3A_396 = arith.constant 0 : i32
    %dma_wait3A_397 = arith.constant 0 : i32
    %dma_wait3A_398 = tpu.memref_slice %arg3[%dma_wait3A_396, %dma_wait3A_397] : memref<1000000x32xf32, #tpu.memory_space<hbm>> -> memref<1000000x32xf32, #tpu.memory_space<hbm>>
    tpu.wait_indirect_dma semaphore(%arg12 : memref<!tpu.dma_semaphore, #tpu.memory_space<semaphore_mem>>) src(%dma_wait3A_398 : memref<1000000x32xf32, #tpu.memory_space<hbm>>) dst(%arg8 : memref<1600x32xf32, #tpu.memory_space<vmem>>)
    %add3A_399 = arith.constant 22400 : i32
    %add3A_400 = arith.addi %mul3A_2, %add3A_399 : i32
    %dma_wait3A_401 = arith.constant 0 : i32
    %dma_wait3A_402 = tpu.memref_slice %arg4[%add3A_400, %dma_wait3A_401] : memref<819200x32xf32, #tpu.memory_space<hbm>> -> memref<1600x32xf32, #tpu.memory_space<hbm>>
    %dma_wait3A_403 = arith.constant 0 : i32
    %dma_wait3A_404 = tpu.memref_slice %arg4[%add3A_400, %dma_wait3A_403] : memref<819200x32xf32, #tpu.memory_space<hbm>> -> memref<1600x32xf32, #tpu.memory_space<hbm>>
    tpu.wait_dma2 semaphore(%arg13 : memref<!tpu.dma_semaphore, #tpu.memory_space<semaphore_mem>>) src(%arg7 : memref<1600x32xf32, #tpu.memory_space<vmem>>) dst(%dma_wait3A_404 : memref<1600x32xf32, #tpu.memory_space<hbm>>)
    %add3A_405 = arith.constant 24000 : i32
    %add3A_406 = arith.addi %mul3A_2, %add3A_405 : i32
    %dma_start3A_407 = arith.constant 0 : i32
    %dma_start3A_408 = tpu.memref_slice %arg4[%add3A_406, %dma_start3A_407] : memref<819200x32xf32, #tpu.memory_space<hbm>> -> memref<1600x32xf32, #tpu.memory_space<hbm>>
    %dma_start3A_409 = arith.constant 0 : i32
    %dma_start3A_410 = tpu.memref_slice %arg4[%add3A_406, %dma_start3A_409] : memref<819200x32xf32, #tpu.memory_space<hbm>> -> memref<1600x32xf32, #tpu.memory_space<hbm>>
    tpu.enqueue_dma source(%arg8 : memref<1600x32xf32, #tpu.memory_space<vmem>>) target(%dma_start3A_410 : memref<1600x32xf32, #tpu.memory_space<hbm>>) target_semaphore(%arg14 : memref<!tpu.dma_semaphore, #tpu.memory_space<semaphore_mem>>)
    %add3A_411 = arith.constant 24000 : i32
    %add3A_412 = arith.addi %mul3A_2, %add3A_411 : i32
    %dma_wait3A_413 = arith.constant 0 : i32
    %dma_wait3A_414 = tpu.memref_slice %arg4[%add3A_412, %dma_wait3A_413] : memref<819200x32xf32, #tpu.memory_space<hbm>> -> memref<1600x32xf32, #tpu.memory_space<hbm>>
    %dma_wait3A_415 = arith.constant 0 : i32
    %dma_wait3A_416 = tpu.memref_slice %arg4[%add3A_412, %dma_wait3A_415] : memref<819200x32xf32, #tpu.memory_space<hbm>> -> memref<1600x32xf32, #tpu.memory_space<hbm>>
    tpu.wait_dma2 semaphore(%arg14 : memref<!tpu.dma_semaphore, #tpu.memory_space<semaphore_mem>>) src(%arg8 : memref<1600x32xf32, #tpu.memory_space<vmem>>) dst(%dma_wait3A_416 : memref<1600x32xf32, #tpu.memory_space<hbm>>)
    return
  }
}

</mosaic_0001>

<sc_bundles>
// kernel: kernel.3.cloned.1.call-start
scs
__scs_entry_jumppad:
0x0: {  	(pc) =	sbr.rel $0x88, $3  }
0x1: {  	(tag) =	ssettag $0x0;
	lr =	simm.s32 $0x1  }
0x2: {  	[smem:$0x3F9F] =	sst lr;
	_ =	strace $0xD0000000  }
0x3: {  	_ = 	snop  }
0x4: {  	_ = 	snop  }
0x5: {  	_ = 	snop  }
0x6: {  	_ = 	snop  }
0x7: {  	_ = 	snop  }
__scs_overlays_trampoline_lowered:
0x8: {  	[smem:$0x3FAE] =	sst s0  }
0x9: {  	[smem:$0x3FAF] =	sst s1  }
0xa: {  	[smem:$0x3FB0] =	sst s2  }
0xb: {  	[smem:$0x3FB1] =	sst s3  }
0xc: {  	[smem:$0x3FB2] =	sst s4  }
0xd: {  	[smem:$0x3FB3] =	sst s5  }
0xe: {  	[smem:$0x3FB4] =	sst s6  }
0xf: {  	[smem:$0x3FB5] =	sst s7  }
0x10: {  	[smem:$0x3FB6] =	sst s8  }
0x11: {  	[smem:$0x3FB7] =	sst s9;
	s0 =	simm.s32 @!p0 $0x0  }
0x12: {  	s1 =	sld [smem:$0x3F9D];
	s0 =	simm.s32 @p0 $0x1  }
0x13: {  	[smem:$0x3FB8] =	sst s0;
	s0 =	simm.s32 @!p1 $0x0  }
0x14: {  	s2 =	sld [smem:$0x3F9C];
	s0 =	simm.s32 @p1 $0x1  }
0x15: {  	[smem:$0x3FB9] =	sst s0;
	s0 =	simm.s32 @!p2 $0x0  }
0x16: {  	s3 =	sld [smem:$0x3FDB];
	s0 =	simm.s32 @p2 $0x1  }
0x17: {  	s4 =	simm.s32 $0x1BF5;
	[smem:$0x3FBB] =	sst s0  }
0x18: {  	s0 =	sld [smem:$0x3F9E];
	_ =	swait.ge [sflag:s4], $0x0  }
0x19: {  	s7 =	sld [smem:$0x3F9F]  }
0x1a: {  	s8 =	sadd.s32 $0xFFFFE003, lr  }
0x1b: {  	s9 =	sadd.s32 $0xFFFFFEF7, lr;
	s5 =	simm.s32 $0xFFFFFFFF;
	p2 =	slt.u32 s8, $0xFFFFF086  }
0x1c: {  	p1 =	slt.u32 s9, $0xF7A;
	s5 =	simm.s32 @!p2 $0x0  }
0x1d: {  	s5 =	simm.s32 @p1 $0x1;
	p0 =	seq.s32 s7, s2  }
0x1e: {  	s7 =	smul.u32 @!p0 $0xF7A, s2;
	p2 =	seq.s32 @!p0 s5, $0x0  }
0x1f: {  	s9 =	smul.u32 $0xF7A, s1;
	s8 =	simm.s32 @!p0 $0x1BF5;
	p2 =	por !p2, p0  }
0x20: {  	[sflag:s8] =	ssyncset.s32 @!p0 $0xFFFFF086;
	s6 =	sadd.s32 @!p0 s3, s7;
	s7 =	simm.s32 @!p0 $0x108  }
0x21: {  	s3 =	sadd.s32 s3, s9;
	s6 =	sadd.s32 @!p0 $0x88, s6;
	s7 =	simm.s32 @p2 $0x1082  }
0x22: {  	[simem:s7], [sflag:s8] =	dma.local @!p0 [hbm:s6], $0xF7A  }
0x23: {  	s9 =	sor.u32 $0xD0000000, s2;
	s6 =	simm.s32 $0x108;
	_ =	swait.ge @!p0 [sflag:s8], $0x0  }
0x24: {  	s3 =	sadd.s32 $0x88, s3;
	s6 =	simm.s32 @!p1 $0x1082;
	[sflag:s4] =	ssyncset.s32 $0xFFFFF086  }
0x25: {  	[simem:s6], [sflag:s4] =	dma.local [hbm:s3], $0xF7A  }
0x26: {  	[smem:$0x3F9F] =	sst s1;
	(tag) =	ssettag s2;
	_ =	strace s9  }
0x27: {  	s1 =	sld [smem:$0x3FAF]  }
0x28: {  	s2 =	sld [smem:$0x3FB0]  }
0x29: {  	s4 =	sld [smem:$0x3FB2]  }
0x2a: {  	p0 =	seq.s32 s5, $0x0;
	s5 =	sld [smem:$0x3FB3]  }
0x2b: {  	s6 =	sld [smem:$0x3FB4]  }
0x2c: {  	s7 =	sld [smem:$0x3FB5]  }
0x2d: {  	s3 =	simm.s32 $0x108;
	s8 =	sld [smem:$0x3FB6]  }
0x2e: {  	s3 =	simm.s32 @!p0 $0x1082;
	s9 =	sld [smem:$0x3FB7]  }
0x2f: {  	lr =	sadd.s32 s0, s3;
	s0 =	sld [smem:$0x3FAE]  }
0x30: {  	s3 =	sld [smem:$0x3FB1]  }
0x31: {  	[smem:$0x3FBA] =	sst s10  }
0x32: {  	s10 =	sld [smem:$0x3FB8];
	_ =	sdelay $0x3  }
0x33: {  	p0 =	seq.s32 s10, $0x1;
	s10 =	sld [smem:$0x3FBA];
	_ =	sdelay $0x3  }
0x34: {  	[smem:$0x3FBA] =	sst s10  }
0x35: {  	s10 =	sld [smem:$0x3FB9];
	_ =	sdelay $0x3  }
0x36: {  	p1 =	seq.s32 s10, $0x1;
	s10 =	sld [smem:$0x3FBA];
	_ =	sdelay $0x3  }
0x37: {  	[smem:$0x3FBA] =	sst s10  }
0x38: {  	s10 =	sld [smem:$0x3FBB]  }
0x39: {  	_ = 	snop;
	(pc) =	sbr.ind lr, $3  }
0x3a: {  	_ = 	snop  }
0x3b: {  	_ = 	snop  }
0x3c: {  	p2 =	seq.s32 s10, $0x1;
	s10 =	sld [smem:$0x3FBA]  }
0x3d: {  	_ =	shalt  }
0x3e: {  	_ =	shalt  }
0x3f: {  	_ =	shalt  }
0x40: {  	_ =	shalt  }
0x41: {  	_ =	shalt  }
0x42: {  	_ =	shalt  }
0x43: {  	_ =	shalt  }
0x44: {  	_ =	shalt  }
0x45: {  	_ =	shalt  }
0x46: {  	_ =	shalt  }
0x47: {  	_ =	shalt  }
0x48: {  	_ =	shalt  }
0x49: {  	_ =	shalt  }
0x4a: {  	_ =	shalt  }
0x4b: {  	_ =	shalt  }
0x4c: {  	_ =	shalt  }
0x4d: {  	_ =	shalt  }
0x4e: {  	_ =	shalt  }
0x4f: {  	_ =	shalt  }
0x50: {  	_ =	shalt  }
0x51: {  	_ =	shalt  }
0x52: {  	_ =	shalt  }
0x53: {  	_ =	shalt  }
0x54: {  	_ =	shalt  }
0x55: {  	_ =	shalt  }
0x56: {  	_ =	shalt  }
0x57: {  	_ =	shalt  }
0x58: {  	_ =	shalt  }
0x59: {  	_ =	shalt  }
0x5a: {  	_ =	shalt  }
0x5b: {  	_ =	shalt  }
0x5c: {  	_ =	shalt  }
0x5d: {  	_ =	shalt  }
0x5e: {  	_ =	shalt  }
0x5f: {  	_ =	shalt  }
0x60: {  	_ =	shalt  }
0x61: {  	_ =	shalt  }
0x62: {  	_ =	shalt  }
0x63: {  	_ =	shalt  }
0x64: {  	_ =	shalt  }
0x65: {  	_ =	shalt  }
0x66: {  	_ =	shalt  }
0x67: {  	_ =	shalt  }
0x68: {  	_ =	shalt  }
0x69: {  	_ =	shalt  }
0x6a: {  	_ =	shalt  }
0x6b: {  	_ =	shalt  }
0x6c: {  	_ =	shalt  }
0x6d: {  	_ =	shalt  }
0x6e: {  	_ =	shalt  }
0x6f: {  	_ =	shalt  }
0x70: {  	_ =	shalt  }
0x71: {  	_ =	shalt  }
0x72: {  	_ =	shalt  }
0x73: {  	_ =	shalt  }
0x74: {  	_ =	shalt  }
0x75: {  	_ =	shalt  }
0x76: {  	_ =	shalt  }
0x77: {  	_ =	shalt  }
0x78: {  	_ =	shalt  }
0x79: {  	_ =	shalt  }
0x7a: {  	_ =	shalt  }
0x7b: {  	_ =	shalt  }
0x7c: {  	_ =	shalt  }
0x7d: {  	_ =	shalt  }
0x7e: {  	_ =	shalt  }
0x7f: {  	_ =	shalt  }
0x80: {  	_ =	shalt  }
0x81: {  	_ =	shalt  }
0x82: {  	_ =	shalt  }
0x83: {  	_ =	shalt  }
0x84: {  	_ =	shalt  }
0x85: {  	_ =	shalt  }
0x86: {  	_ =	shalt  }
0x87: {  	_ =	shalt  }
.Lfunc_end0:
.L_simem_size_0:
called_computation.1_lowered:
.L_overlay_start_0:
0x88: {  	s2 =	sld [smem:$0x3FD9]  }
0x89: {  	s3 =	sld [smem:$0x3FFE];
	_ =	sdelay $0x1  }
0x8a: {  	s1 =	srdreg.scid  }
0x8b: {  	s0 =	sand.u32 $0x1, s1  }
0x8c: {  	s17 =	sshll.u32 s0, $0xA;
	s2 =	sadd.s32 s3, s2  }
0x8d: {  	s2 =	sadd.s32 s2, s17  }
0x8e: {  	[smem:$0x3FC6] =	sst s2  }
0x8f: {  	_ = 	snop  }
0x90: {  	s2 =	sld [smem:$0x3FD0];
	(tm) =	ssettm $0x1  }
0x91: {  	s18 =	sld [smem:$0x3FFB];
	_ =	sdelay $0x3  }
0x92: {  	_ =	strace s18  }
0x93: {  	s3 =	sld [smem:$0x3FFC];
	_ =	sdelay $0x3  }
0x94: {  	_ =	strace s3  }
0x95: {  	s3 =	sld [smem:$0x3FFD];
	_ =	sdelay $0x3  }
0x96: {  	_ =	strace s3  }
0x97: {  	_ =	strace $0x8FFFFFFF  }
0x98: {  	s19 =	sld [smem:$0x3FDB];
	_ =	sdelay $0x1  }
0x99: {  	s4 =	simm.s32 $_scs_section_size  }
0x9a: {  	s5 =	simm.s32 $_size__tile_overlayer_lowered;
	s6 =	simm.s32 $_tile_overlayer_lowered  }
0x9b: {  	s22 =	simm.s32 $0x1BFF;
	s21 =	sshll.u32 s6, $0x1;
	s3 =	sadd.s32 s4, s19  }
0x9c: {  	s7 =	simm.s32 $0x0;
	s20 =	sshll.u32 s5, $0x1;
	s5 =	sadd.s32 s21, s3  }
0x9d: {  	[timem:s7], [sflag:s22] =	dma.local [hbm:s5], s20  }
0x9e: {  	_ =	swait.ge [sflag:s22], s20  }
0x9f: {  	s4 =	ssub.s32 $0x0, s20;
	[sflag:s22] =	ssyncset.done $0x0  }
0xa0: {  	[sflag:s22] =	ssyncadd.s32 s4;
	_ =	sdelay $0x1  }
0xa1: {  	s23 =	simm.s32 $0x1B8B  }
0xa2: {  	_ =	swait.ge [sflag:s23], $0x1  }
0xa3: {  	[sflag:s23] =	ssyncset.done $0x0  }
0xa4: {  	s25 =	simm.s32 $0x1B8E;
	s24 =	sld [smem:$0x3FFE];
	[sflag:s23] =	ssyncadd.s32 $0xFFFFFFFF  }
0xa5: {  	s26 =	simm.s32 $execute0_lowered;
	[smem:$0x3FD2] =	sst s25  }
0xa6: {  	s5 =	sshll.u32 s26, $0x1;
	_ =	strace $0x80000046;
	[dreg:$0x1] =	wrdreg $0xFFFFFFFF  }
0xa7: {  	s28 =	simm.s32 $_size_execute0_lowered;
	s3 =	sadd.s32 s3, s5;
	[dreg:$0x0] =	wrdreg $0x0  }
0xa8: {  	s5 =	sshll.u32 s28, $0x1;
	[dreg:$0x2] =	wrdreg s3  }
0xa9: {  	[dreg:$0x3] =	wrdreg s5  }
0xaa: {  	[dreg:$0x4] =	wrdreg $0xC0  }
0xab: {  	_ =	task [dreg:s7], $0x5FFFF  }
0xac: {  	[dreg:$0x1] =	wrdreg $0xFFFFFFFF  }
0xad: {  	[dreg:$0x0] =	wrdreg $0x60  }
0xae: {  	[dreg:$0x2] =	wrdreg s24  }
0xaf: {  	[dreg:$0x3] =	wrdreg s2  }
0xb0: {  	[dreg:$0x4] =	wrdreg $0x9  }
0xb1: {  	_ =	task.clear_ibuf [dreg:s7], $0x5FFFF;
	_ =	strace $0x90000046  }
0xb2: {  	s29 =	simm.s32 $0x9;
	_ =	strace $0x80000048  }
0xb3: {  	_ =	swait.ge [sflag:s29], $0x1  }
0xb4: {  	[sflag:s29] =	ssyncadd.s32 $0xFFFFFFFF  }
0xb5: {  	_ =	strace $0x90000048  }
0xb6: {  	_ =	sfence  }
0xb7: {  	s30 =	sld [smem:$0x0];
	_ =	sdelay $0x2  }
0xb8: {  	s31 =	sshll.u32 s1, $0xD;
	s1 =	sshrl.u32 s1, $0x2  }
0xb9: {  	s3 =	sand.u32 $0x4000, s31;
	s1 =	sadd.s32 s1, s30  }
0xba: {  	s0 =	sor.u32 s3, s0;
	s1 =	sshll.u32 s1, $0x11  }
0xbb: {  	s0 =	sor.u32 s1, s0  }
0xbc: {  	s0 =	sadd.s32 $0x8F2B, s0  }
0xbd: {  	[sflag:s0] =	ssyncadd.remote.s32 $0x1  }
0xbe: {  	_ =	sfence.sel $0xFFFF  }
0xbf: {  	[dreg:$0x0] =	wrdreg $0xFFFFFFFF;
	(pc) =	sbr.abs _section_cstart, $3  }
0xc0: {  	[dreg:$0x1] =	wrdreg $0xFFFFFFFF  }
0xc1: {  	_ =	task.clear_ibuf [dreg:s7], $0x2FFFF;
	_ =	strace $0x9FFFFFFF  }
0xc2: {  	(tm) =	ssettm $0x7FFFFFFF  }
0xc3: {  	_ =	shalt  }
tec
execute0_lowered:
.L_overlay_start_1:
0x0: {  	(tag) =	ssettag $0x1  }
0x1: {  	s0 =	rddreg [dreg:$0x0];
	s2 =	srdreg.scid  }
0x2: {  	s3 =	stileid.u32;
	s1 =	rddreg [dreg:$0x1];
	p0 =	por $0x0, $0x0  }
0x3: {  	s31 =	simm.s32 $0x6;
	s6 =	sand.u32 $0x1, s2;
	s3 =	sshll.u32 s3, $0x1  }
0x4: {  	s2 =	simm.s32 $0x0;
	s11 =	sadd.s32 $0xA00, s0;
	s7 =	sor.u32 s6, s3  }
0x5: {  	[smem:$0x7FF] =	sst s2;
	s3 =	sadd.s32 $0xF42E00, s0;
	s5 =	smul.u32 $0x6400, s7  }
0x6: {  	s6 =	ssub.s32 $0x2, s6;
	_ =	strace $0x80000047;
	s7 =	smul.u32 $0x19000, s7  }
0x7: {  	s23 =	sshrl.u32 s5, $0x3;
	s8 =	sadd.s32 $0x640, s5;
	s25 =	sadd.s32 $0xC80, s5  }
0x8: {  	s26 =	sadd.s32 s1, s7;
	s14 =	sadd.s32 $0x12C0, s5;
	s17 =	sadd.s32 $0x1900, s5  }
0x9: {  	s22 =	sadd.s32 $0x1F40, s5;
	s0 =	sadd.s32 s11, s23;
	s9 =	sshrl.u32 s8, $0x3  }
0xa: {  	s4 =	sshrl.u32 s25, $0x3;
	[dreg:$0x5] =	wrdreg s26;
	s12 =	sshll.u32 s8, $0x2  }
0xb: {  	s15 =	sshrl.u32 s14, $0x3;
	s16 =	sshll.u32 s25, $0x2;
	s19 =	sshrl.u32 s17, $0x3  }
0xc: {  	s7 =	sshll.u32 s14, $0x2;
	[dreg:$0x3] =	wrdreg s0;
	s24 =	sadd.s32 s11, s9  }
0xd: {  	s23 =	sshrl.u32 s6, $0x1;
	s10 =	sadd.s32 s11, s4;
	[dreg:$0x4] =	wrdreg s24  }
0xe: {  	s14 =	sadd.s32 $0x3200, s5;
	s13 =	sadd.s32 s1, s12;
	[dreg:$0x6] =	wrdreg s10  }
0xf: {  	s0 =	sadd.s32 s11, s15;
	s18 =	sadd.s32 s1, s16;
	[dreg:$0x7] =	wrdreg s13  }
0x10: {  	s20 =	sadd.s32 s11, s19;
	s21 =	sadd.s32 s1, s7;
	[dreg:$0x8] =	wrdreg s0  }
0x11: {  	s9 =	sshll.u32 s17, $0x2;
	s7 =	sshll.u32 s22, $0x2;
	[dreg:$0x9] =	wrdreg s18  }
0x12: {  	s6 =	ssub.s32 s6, s23;
	s15 =	sshrl.u32 s14, $0x3;
	[dreg:$0xa] =	wrdreg s20  }
0x13: {  	s17 =	sadd.s32 $0x3840, s5;
	s19 =	sshll.u32 s14, $0x2;
	[dreg:$0xb] =	wrdreg s21  }
0x14: {  	s24 =	sshrl.u32 s22, $0x3;
	s10 =	sadd.s32 $0x2580, s5;
	s25 =	sadd.s32 s1, s9  }
0x15: {  	s7 =	sadd.s32 s1, s7;
	s9 =	sadd.s32 $0x2BC0, s5;
	s18 =	sshrl.u32 s17, $0x3  }
0x16: {  	s20 =	sadd.s32 $0x3E80, s5;
	s22 =	sadd.s32 $0x44C0, s5;
	[dreg:$0xd] =	wrdreg s25  }
0x17: {  	s0 =	sadd.s32 s11, s24;
	s26 =	sshrl.u32 s10, $0x3;
	[dreg:$0xf] =	wrdreg s7  }
0x18: {  	s12 =	sshrl.u32 s9, $0x3;
	s13 =	sshll.u32 s10, $0x2;
	s16 =	sshll.u32 s9, $0x2  }
0x19: {  	s29 =	sadd.s32 s11, s18;
	s25 =	sadd.s32 s1, s19;
	s21 =	sshrl.u32 s20, $0x3  }
0x1a: {  	s7 =	sshll.u32 s17, $0x2;
	s8 =	sshrl.u32 s22, $0x3;
	s10 =	sadd.s32 $0x4B00, s5  }
0x1b: {  	s18 =	sadd.s32 $0x5780, s5;
	s9 =	simm.s32 $0xC80;
	[dreg:$0xc] =	wrdreg s0  }
0x1c: {  	s4 =	sadd.s32 s11, s26;
	s0 =	sadd.s32 s11, s12;
	s30 =	sadd.s32 s1, s13  }
0x1d: {  	s28 =	sadd.s32 s1, s16;
	s26 =	sadd.s32 s11, s21;
	s23 =	sadd.s32 s1, s7  }
0x1e: {  	s24 =	sadd.s32 s11, s8;
	s12 =	sshrl.u32 s10, $0x3;
	s13 =	sshll.u32 s22, $0x2  }
0x1f: {  	s7 =	sshll.u32 s10, $0x2;
	s19 =	sshrl.u32 s18, $0x3;
	[dreg:$0xe] =	wrdreg s4  }
0x20: {  	s8 =	sadd.s32 $0x5DC0, s5;
	[dreg:$0x10] =	wrdreg s0;
	s4 =	sadd.s32 s11, s15  }
0x21: {  	s0 =	sshll.u32 s20, $0x2;
	s22 =	sadd.s32 s11, s12;
	s14 =	sadd.s32 s1, s13  }
0x22: {  	s15 =	sadd.s32 $0x5140, s5;
	s16 =	sadd.s32 s1, s7;
	s19 =	sadd.s32 s11, s19  }
0x23: {  	s13 =	sshrl.u32 s8, $0x3;
	s21 =	sadd.s32 s1, s0;
	[dreg:$0x12] =	wrdreg s14  }
0x24: {  	s17 =	sshrl.u32 s15, $0x3;
	s14 =	sshll.u32 s18, $0x2;
	s18 =	smax.u32 s6, $0x1  }
0x25: {  	s0 =	sshll.u32 s15, $0x2;
	s15 =	sadd.s32 s11, s13;
	p1 =	sne.s32 s18, $0x1  }
.Ltmp0:
0x26: {  	s6 =	simm.s32 $0xD480;
	s13 =	simm.s32 $0x4;
	(pc) =	sbr.rel @!p1 .LBB2_3-.Ltmp0, $4  }
0x27: {  	s20 =	sadd.s32 s11, s17;
	s12 =	sadd.s32 s1, s0;
	s10 =	sadd.s32 s1, s14  }
0x28: {  	s17 =	sshll.u32 s8, $0x2;
	s8 =	simm.s32 $0x640;
	s7 =	sadd.s32 $0xFFFFFFFF, s18  }
0x29: {  	s18 =	simm.s32 $0x3;
	s14 =	simm.s32 $0x2;
	s11 =	simm.s32 $0x5  }
0x2a: {  	s0 =	rddreg [dreg:$0x3];
	s5 =	sadd.s32 s1, s17;
	s17 =	simm.s32 $0x1  }
0x2b: {  	[tilespmem:s2], [sflag:$0x1] =	stream.linear.gather [hbm4b:s0+s2], $0x640, $0x38;
	[tilespmem:$0x19C80] =	vst v63  }
0x2c: {  	_ =	swait.ge [sflag:s17], $0x640  }
0x2d: {  	[sflag:s17] =	ssyncset.done $0x0  }
0x2e: {  	[sflag:s17] =	ssyncadd.s32 $0xFFFFF9C0  }
0x2f: {  	[tilespmem:s9], [sflag:$0x3] =	stream.indirect.gather [hbm4b:s3+s8], $0x20, s2, s8, $0xb8;
	[tilespmem:$0x19C80] =	vst v63  }
0x30: {  	s1 =	rddreg [dreg:$0x4]  }
0x31: {  	[tilespmem:s8], [sflag:$0x2] =	stream.linear.gather [hbm4b:s1+s2], $0x640, $0x38;
	[tilespmem:$0x19C80] =	vst v63  }
0x32: {  	_ =	swait.ge [sflag:s18], $0xC800  }
0x33: {  	[sflag:s18] =	ssyncset.done $0x0  }
0x34: {  	[sflag:s18] =	ssyncadd.s32 $0xFFFF3800  }
0x35: {  	_ =	swait.ge [sflag:s14], $0x640  }
0x36: {  	[sflag:s14] =	ssyncset.done $0x0  }
0x37: {  	[sflag:s14] =	ssyncadd.s32 $0xFFFFF9C0  }
0x38: {  	[tilespmem:s6], [sflag:$0x4] =	stream.indirect.gather [hbm4b:s3+s8], $0x20, s8, s8, $0xb8;
	[tilespmem:$0x19C80] =	vst v63  }
0x39: {  	s0 =	rddreg [dreg:$0x5]  }
0x3a: {  	[hbm4b:s0+s2] =	stream.linear.scatter [tilespmem:s9], [sflag:$0x5], $0xC800, $0x38;
	[tilespmem:$0x19C80] =	vst v63  }
0x3b: {  	s1 =	rddreg [dreg:$0x6]  }
0x3c: {  	[tilespmem:s2], [sflag:$0x1] =	stream.linear.gather [hbm4b:s1+s2], $0x640, $0x38;
	[tilespmem:$0x19C80] =	vst v63  }
0x3d: {  	_ =	swait.ge [sflag:s13], $0xC800  }
0x3e: {  	[sflag:s13] =	ssyncset.done $0x0  }
0x3f: {  	[sflag:s13] =	ssyncadd.s32 $0xFFFF3800  }
0x40: {  	_ =	swait.ge [sflag:s11], $0xC800  }
0x41: {  	[sflag:s11] =	ssyncset.done $0x0  }
0x42: {  	[sflag:s11] =	ssyncadd.s32 $0xFFFF3800  }
0x43: {  	_ =	swait.ge [sflag:s17], $0x640  }
0x44: {  	[sflag:s17] =	ssyncset.done $0x0  }
0x45: {  	[sflag:s17] =	ssyncadd.s32 $0xFFFFF9C0  }
0x46: {  	[tilespmem:s9], [sflag:$0x3] =	stream.indirect.gather [hbm4b:s3+s8], $0x20, s2, s8, $0xb8;
	[tilespmem:$0x19C80] =	vst v63  }
0x47: {  	s0 =	rddreg [dreg:$0x7]  }
0x48: {  	[hbm4b:s0+s2] =	stream.linear.scatter [tilespmem:s6], [sflag:$0x6], $0xC800, $0x38;
	[tilespmem:$0x19C80] =	vst v63  }
0x49: {  	s1 =	rddreg [dreg:$0x8]  }
0x4a: {  	[tilespmem:s8], [sflag:$0x2] =	stream.linear.gather [hbm4b:s1+s2], $0x640, $0x38;
	[tilespmem:$0x19C80] =	vst v63  }
0x4b: {  	_ =	swait.ge [sflag:s18], $0xC800  }
0x4c: {  	[sflag:s18] =	ssyncset.done $0x0  }
0x4d: {  	[sflag:s18] =	ssyncadd.s32 $0xFFFF3800  }
0x4e: {  	_ =	swait.ge [sflag:s31], $0xC800  }
0x4f: {  	[sflag:s31] =	ssyncset.done $0x0  }
0x50: {  	[sflag:s31] =	ssyncadd.s32 $0xFFFF3800  }
0x51: {  	_ =	swait.ge [sflag:s14], $0x640  }
0x52: {  	[sflag:s14] =	ssyncset.done $0x0  }
0x53: {  	[sflag:s14] =	ssyncadd.s32 $0xFFFFF9C0  }
0x54: {  	[tilespmem:s6], [sflag:$0x4] =	stream.indirect.gather [hbm4b:s3+s8], $0x20, s8, s8, $0xb8;
	[tilespmem:$0x19C80] =	vst v63  }
0x55: {  	s0 =	rddreg [dreg:$0x9]  }
0x56: {  	[hbm4b:s0+s2] =	stream.linear.scatter [tilespmem:s9], [sflag:$0x5], $0xC800, $0x38;
	[tilespmem:$0x19C80] =	vst v63  }
0x57: {  	s1 =	rddreg [dreg:$0xa]  }
0x58: {  	[tilespmem:s2], [sflag:$0x1] =	stream.linear.gather [hbm4b:s1+s2], $0x640, $0x38;
	[tilespmem:$0x19C80] =	vst v63  }
0x59: {  	_ =	swait.ge [sflag:s13], $0xC800  }
0x5a: {  	[sflag:s13] =	ssyncset.done $0x0  }
0x5b: {  	[sflag:s13] =	ssyncadd.s32 $0xFFFF3800  }
0x5c: {  	_ =	swait.ge [sflag:s11], $0xC800  }
0x5d: {  	[sflag:s11] =	ssyncset.done $0x0  }
0x5e: {  	[sflag:s11] =	ssyncadd.s32 $0xFFFF3800  }
0x5f: {  	_ =	swait.ge [sflag:s17], $0x640  }
0x60: {  	[sflag:s17] =	ssyncset.done $0x0  }
0x61: {  	[sflag:s17] =	ssyncadd.s32 $0xFFFFF9C0  }
0x62: {  	[tilespmem:s9], [sflag:$0x3] =	stream.indirect.gather [hbm4b:s3+s8], $0x20, s2, s8, $0xb8;
	[tilespmem:$0x19C80] =	vst v63  }
0x63: {  	s0 =	rddreg [dreg:$0xb]  }
0x64: {  	[hbm4b:s0+s2] =	stream.linear.scatter [tilespmem:s6], [sflag:$0x6], $0xC800, $0x38;
	[tilespmem:$0x19C80] =	vst v63  }
0x65: {  	s1 =	rddreg [dreg:$0xc]  }
0x66: {  	[tilespmem:s8], [sflag:$0x2] =	stream.linear.gather [hbm4b:s1+s2], $0x640, $0x38;
	[tilespmem:$0x19C80] =	vst v63  }
0x67: {  	_ =	swait.ge [sflag:s18], $0xC800  }
0x68: {  	[sflag:s18] =	ssyncset.done $0x0  }
0x69: {  	[sflag:s18] =	ssyncadd.s32 $0xFFFF3800  }
0x6a: {  	_ =	swait.ge [sflag:s31], $0xC800  }
0x6b: {  	[sflag:s31] =	ssyncset.done $0x0  }
0x6c: {  	[sflag:s31] =	ssyncadd.s32 $0xFFFF3800  }
0x6d: {  	_ =	swait.ge [sflag:s14], $0x640  }
0x6e: {  	[sflag:s14] =	ssyncset.done $0x0  }
0x6f: {  	[sflag:s14] =	ssyncadd.s32 $0xFFFFF9C0  }
0x70: {  	[tilespmem:s6], [sflag:$0x4] =	stream.indirect.gather [hbm4b:s3+s8], $0x20, s8, s8, $0xb8;
	[tilespmem:$0x19C80] =	vst v63  }
0x71: {  	s0 =	rddreg [dreg:$0xd]  }
0x72: {  	[hbm4b:s0+s2] =	stream.linear.scatter [tilespmem:s9], [sflag:$0x5], $0xC800, $0x38;
	[tilespmem:$0x19C80] =	vst v63  }
0x73: {  	s1 =	rddreg [dreg:$0xe]  }
0x74: {  	[tilespmem:s2], [sflag:$0x1] =	stream.linear.gather [hbm4b:s1+s2], $0x640, $0x38;
	[tilespmem:$0x19C80] =	vst v63  }
0x75: {  	_ =	swait.ge [sflag:s13], $0xC800  }
0x76: {  	[sflag:s13] =	ssyncset.done $0x0  }
0x77: {  	[sflag:s13] =	ssyncadd.s32 $0xFFFF3800  }
0x78: {  	_ =	swait.ge [sflag:s11], $0xC800  }
0x79: {  	[sflag:s11] =	ssyncset.done $0x0  }
0x7a: {  	[sflag:s11] =	ssyncadd.s32 $0xFFFF3800  }
0x7b: {  	_ =	swait.ge [sflag:s17], $0x640  }
0x7c: {  	[sflag:s17] =	ssyncset.done $0x0  }
0x7d: {  	[sflag:s17] =	ssyncadd.s32 $0xFFFFF9C0  }
0x7e: {  	[tilespmem:s9], [sflag:$0x3] =	stream.indirect.gather [hbm4b:s3+s8], $0x20, s2, s8, $0xb8;
	[tilespmem:$0x19C80] =	vst v63  }
0x7f: {  	s0 =	rddreg [dreg:$0xf]  }
0x80: {  	[hbm4b:s0+s2] =	stream.linear.scatter [tilespmem:s6], [sflag:$0x6], $0xC800, $0x38;
	[tilespmem:$0x19C80] =	vst v63  }
0x81: {  	s1 =	rddreg [dreg:$0x10]  }
0x82: {  	[tilespmem:s8], [sflag:$0x2] =	stream.linear.gather [hbm4b:s1+s2], $0x640, $0x38;
	[tilespmem:$0x19C80] =	vst v63  }
0x83: {  	_ =	swait.ge [sflag:s18], $0xC800  }
0x84: {  	[sflag:s18] =	ssyncset.done $0x0  }
0x85: {  	[sflag:s18] =	ssyncadd.s32 $0xFFFF3800  }
0x86: {  	_ =	swait.ge [sflag:s31], $0xC800  }
0x87: {  	[sflag:s31] =	ssyncset.done $0x0  }
0x88: {  	[sflag:s31] =	ssyncadd.s32 $0xFFFF3800  }
0x89: {  	_ =	swait.ge [sflag:s14], $0x640  }
0x8a: {  	[sflag:s14] =	ssyncset.done $0x0  }
0x8b: {  	[sflag:s14] =	ssyncadd.s32 $0xFFFFF9C0  }
0x8c: {  	[tilespmem:s6], [sflag:$0x4] =	stream.indirect.gather [hbm4b:s3+s8], $0x20, s8, s8, $0xb8;
	[tilespmem:$0x19C80] =	vst v63  }
0x8d: {  	_ = 	snop  }
0x8e: {  	[hbm4b:s30+s2] =	stream.linear.scatter [tilespmem:s9], [sflag:$0x5], $0xC800, $0x38;
	[tilespmem:$0x19C80] =	vst v63  }
0x8f: {  	_ = 	snop  }
0x90: {  	[tilespmem:s2], [sflag:$0x1] =	stream.linear.gather [hbm4b:s4+s2], $0x640, $0x38;
	[tilespmem:$0x19C80] =	vst v63  }
0x91: {  	_ =	swait.ge [sflag:s13], $0xC800  }
0x92: {  	[sflag:s13] =	ssyncset.done $0x0  }
0x93: {  	[sflag:s13] =	ssyncadd.s32 $0xFFFF3800  }
0x94: {  	_ =	swait.ge [sflag:s11], $0xC800  }
0x95: {  	[sflag:s11] =	ssyncset.done $0x0  }
0x96: {  	[sflag:s11] =	ssyncadd.s32 $0xFFFF3800  }
0x97: {  	_ =	swait.ge [sflag:s17], $0x640  }
0x98: {  	[sflag:s17] =	ssyncset.done $0x0  }
0x99: {  	[sflag:s17] =	ssyncadd.s32 $0xFFFFF9C0  }
0x9a: {  	[tilespmem:s9], [sflag:$0x3] =	stream.indirect.gather [hbm4b:s3+s8], $0x20, s2, s8, $0xb8;
	[tilespmem:$0x19C80] =	vst v63  }
0x9b: {  	_ = 	snop  }
0x9c: {  	[hbm4b:s28+s2] =	stream.linear.scatter [tilespmem:s6], [sflag:$0x6], $0xC800, $0x38;
	[tilespmem:$0x19C80] =	vst v63  }
0x9d: {  	_ = 	snop  }
0x9e: {  	[tilespmem:s8], [sflag:$0x2] =	stream.linear.gather [hbm4b:s29+s2], $0x640, $0x38;
	[tilespmem:$0x19C80] =	vst v63  }
0x9f: {  	_ =	swait.ge [sflag:s18], $0xC800  }
0xa0: {  	[sflag:s18] =	ssyncset.done $0x0  }
0xa1: {  	[sflag:s18] =	ssyncadd.s32 $0xFFFF3800  }
0xa2: {  	_ =	swait.ge [sflag:s31], $0xC800  }
0xa3: {  	[sflag:s31] =	ssyncset.done $0x0  }
0xa4: {  	[sflag:s31] =	ssyncadd.s32 $0xFFFF3800  }
0xa5: {  	_ =	swait.ge [sflag:s14], $0x640  }
0xa6: {  	[sflag:s14] =	ssyncset.done $0x0  }
0xa7: {  	[sflag:s14] =	ssyncadd.s32 $0xFFFFF9C0  }
0xa8: {  	[tilespmem:s6], [sflag:$0x4] =	stream.indirect.gather [hbm4b:s3+s8], $0x20, s8, s8, $0xb8;
	[tilespmem:$0x19C80] =	vst v63  }
0xa9: {  	_ = 	snop  }
0xaa: {  	[hbm4b:s25+s2] =	stream.linear.scatter [tilespmem:s9], [sflag:$0x5], $0xC800, $0x38;
	[tilespmem:$0x19C80] =	vst v63  }
0xab: {  	_ = 	snop  }
0xac: {  	[tilespmem:s2], [sflag:$0x1] =	stream.linear.gather [hbm4b:s26+s2], $0x640, $0x38;
	[tilespmem:$0x19C80] =	vst v63  }
0xad: {  	_ =	swait.ge [sflag:s13], $0xC800  }
0xae: {  	[sflag:s13] =	ssyncset.done $0x0  }
0xaf: {  	[sflag:s13] =	ssyncadd.s32 $0xFFFF3800  }
0xb0: {  	_ =	swait.ge [sflag:s11], $0xC800  }
0xb1: {  	[sflag:s11] =	ssyncset.done $0x0  }
0xb2: {  	[sflag:s11] =	ssyncadd.s32 $0xFFFF3800  }
0xb3: {  	_ =	swait.ge [sflag:s17], $0x640  }
0xb4: {  	[sflag:s17] =	ssyncset.done $0x0  }
0xb5: {  	[sflag:s17] =	ssyncadd.s32 $0xFFFFF9C0  }
0xb6: {  	[tilespmem:s9], [sflag:$0x3] =	stream.indirect.gather [hbm4b:s3+s8], $0x20, s2, s8, $0xb8;
	[tilespmem:$0x19C80] =	vst v63  }
0xb7: {  	_ = 	snop  }
0xb8: {  	[hbm4b:s23+s2] =	stream.linear.scatter [tilespmem:s6], [sflag:$0x6], $0xC800, $0x38;
	[tilespmem:$0x19C80] =	vst v63  }
0xb9: {  	_ = 	snop  }
0xba: {  	[tilespmem:s8], [sflag:$0x2] =	stream.linear.gather [hbm4b:s24+s2], $0x640, $0x38;
	[tilespmem:$0x19C80] =	vst v63  }
0xbb: {  	_ =	swait.ge [sflag:s18], $0xC800  }
0xbc: {  	[sflag:s18] =	ssyncset.done $0x0  }
0xbd: {  	[sflag:s18] =	ssyncadd.s32 $0xFFFF3800  }
0xbe: {  	_ =	swait.ge [sflag:s31], $0xC800  }
0xbf: {  	[sflag:s31] =	ssyncset.done $0x0  }
0xc0: {  	[sflag:s31] =	ssyncadd.s32 $0xFFFF3800  }
0xc1: {  	_ =	swait.ge [sflag:s14], $0x640  }
0xc2: {  	[sflag:s14] =	ssyncset.done $0x0  }
0xc3: {  	[sflag:s14] =	ssyncadd.s32 $0xFFFFF9C0  }
0xc4: {  	[tilespmem:s6], [sflag:$0x4] =	stream.indirect.gather [hbm4b:s3+s8], $0x20, s8, s8, $0xb8;
	[tilespmem:$0x19C80] =	vst v63  }
0xc5: {  	_ = 	snop  }
0xc6: {  	[hbm4b:s21+s2] =	stream.linear.scatter [tilespmem:s9], [sflag:$0x5], $0xC800, $0x38;
	[tilespmem:$0x19C80] =	vst v63  }
0xc7: {  	_ = 	snop  }
0xc8: {  	[tilespmem:s2], [sflag:$0x1] =	stream.linear.gather [hbm4b:s22+s2], $0x640, $0x38;
	[tilespmem:$0x19C80] =	vst v63  }
0xc9: {  	_ =	swait.ge [sflag:s13], $0xC800  }
0xca: {  	[sflag:s13] =	ssyncset.done $0x0  }
0xcb: {  	[sflag:s13] =	ssyncadd.s32 $0xFFFF3800  }
0xcc: {  	_ =	swait.ge [sflag:s11], $0xC800  }
0xcd: {  	[sflag:s11] =	ssyncset.done $0x0  }
0xce: {  	[sflag:s11] =	ssyncadd.s32 $0xFFFF3800  }
0xcf: {  	_ =	swait.ge [sflag:s17], $0x640  }
0xd0: {  	[sflag:s17] =	ssyncset.done $0x0  }
0xd1: {  	[sflag:s17] =	ssyncadd.s32 $0xFFFFF9C0  }
0xd2: {  	[tilespmem:s9], [sflag:$0x3] =	stream.indirect.gather [hbm4b:s3+s8], $0x20, s2, s8, $0xb8;
	[tilespmem:$0x19C80] =	vst v63  }
0xd3: {  	s1 =	rddreg [dreg:$0x12]  }
0xd4: {  	[hbm4b:s1+s2] =	stream.linear.scatter [tilespmem:s6], [sflag:$0x6], $0xC800, $0x38;
	[tilespmem:$0x19C80] =	vst v63  }
0xd5: {  	_ = 	snop  }
0xd6: {  	[tilespmem:s8], [sflag:$0x2] =	stream.linear.gather [hbm4b:s20+s2], $0x640, $0x38;
	[tilespmem:$0x19C80] =	vst v63  }
0xd7: {  	_ =	swait.ge [sflag:s18], $0xC800  }
0xd8: {  	[sflag:s18] =	ssyncset.done $0x0  }
0xd9: {  	[sflag:s18] =	ssyncadd.s32 $0xFFFF3800  }
0xda: {  	_ =	swait.ge [sflag:s31], $0xC800  }
0xdb: {  	[sflag:s31] =	ssyncset.done $0x0  }
0xdc: {  	[sflag:s31] =	ssyncadd.s32 $0xFFFF3800  }
0xdd: {  	_ =	swait.ge [sflag:s14], $0x640  }
0xde: {  	[sflag:s14] =	ssyncset.done $0x0  }
0xdf: {  	[sflag:s14] =	ssyncadd.s32 $0xFFFFF9C0  }
0xe0: {  	[tilespmem:s6], [sflag:$0x4] =	stream.indirect.gather [hbm4b:s3+s8], $0x20, s8, s8, $0xb8;
	[tilespmem:$0x19C80] =	vst v63  }
0xe1: {  	_ = 	snop  }
0xe2: {  	[hbm4b:s16+s2] =	stream.linear.scatter [tilespmem:s9], [sflag:$0x5], $0xC800, $0x38;
	[tilespmem:$0x19C80] =	vst v63  }
0xe3: {  	_ = 	snop  }
0xe4: {  	[tilespmem:s2], [sflag:$0x1] =	stream.linear.gather [hbm4b:s19+s2], $0x640, $0x38;
	[tilespmem:$0x19C80] =	vst v63  }
0xe5: {  	_ =	swait.ge [sflag:s13], $0xC800  }
0xe6: {  	[sflag:s13] =	ssyncset.done $0x0  }
0xe7: {  	[sflag:s13] =	ssyncadd.s32 $0xFFFF3800  }
0xe8: {  	_ =	swait.ge [sflag:s11], $0xC800  }
0xe9: {  	[sflag:s11] =	ssyncset.done $0x0  }
0xea: {  	[sflag:s11] =	ssyncadd.s32 $0xFFFF3800  }
0xeb: {  	_ =	swait.ge [sflag:s17], $0x640  }
0xec: {  	[sflag:s17] =	ssyncset.done $0x0  }
0xed: {  	[sflag:s17] =	ssyncadd.s32 $0xFFFFF9C0  }
0xee: {  	[tilespmem:s9], [sflag:$0x3] =	stream.indirect.gather [hbm4b:s3+s8], $0x20, s2, s8, $0xb8;
	[tilespmem:$0x19C80] =	vst v63  }
0xef: {  	_ = 	snop  }
0xf0: {  	[hbm4b:s12+s2] =	stream.linear.scatter [tilespmem:s6], [sflag:$0x6], $0xC800, $0x38;
	[tilespmem:$0x19C80] =	vst v63  }
0xf1: {  	_ = 	snop  }
0xf2: {  	[tilespmem:s8], [sflag:$0x2] =	stream.linear.gather [hbm4b:s15+s2], $0x640, $0x38;
	[tilespmem:$0x19C80] =	vst v63  }
0xf3: {  	_ =	swait.ge [sflag:s18], $0xC800  }
0xf4: {  	[sflag:s18] =	ssyncset.done $0x0  }
0xf5: {  	[sflag:s18] =	ssyncadd.s32 $0xFFFF3800  }
0xf6: {  	_ =	swait.ge [sflag:s31], $0xC800  }
0xf7: {  	[sflag:s31] =	ssyncset.done $0x0  }
0xf8: {  	[sflag:s31] =	ssyncadd.s32 $0xFFFF3800  }
0xf9: {  	_ =	swait.ge [sflag:s14], $0x640  }
0xfa: {  	[sflag:s14] =	ssyncset.done $0x0  }
0xfb: {  	[sflag:s14] =	ssyncadd.s32 $0xFFFFF9C0  }
0xfc: {  	[tilespmem:s6], [sflag:$0x4] =	stream.indirect.gather [hbm4b:s3+s8], $0x20, s8, s8, $0xb8;
	[tilespmem:$0x19C80] =	vst v63  }
0xfd: {  	_ = 	snop  }
0xfe: {  	[hbm4b:s10+s2] =	stream.linear.scatter [tilespmem:s9], [sflag:$0x5], $0xC800, $0x38;
	[tilespmem:$0x19C80] =	vst v63  }
0xff: {  	_ =	swait.ge [sflag:s13], $0xC800  }
0x100: {  	[sflag:s13] =	ssyncset.done $0x0  }
0x101: {  	[sflag:s13] =	ssyncadd.s32 $0xFFFF3800  }
0x102: {  	p1 =	sne.s32 s7, $0x1;
	_ =	swait.ge [sflag:s11], $0xC800  }
.Ltmp1:
0x103: {  	[sflag:s11] =	ssyncset.done $0x0;
	(pc) =	sbr.rel @!p1 .LBB2_3-.Ltmp1, $4  }
0x104: {  	[sflag:s11] =	ssyncadd.s32 $0xFFFF3800  }
0x105: {  	[hbm4b:s5+s2] =	stream.linear.scatter [tilespmem:s6], [sflag:$0x6], $0xC800, $0x38;
	[tilespmem:$0x19C80] =	vst v63  }
0x106: {  	p0 =	por $0x1, $0x1;
	_ =	swait.ge [sflag:s31], $0xC800;
	[dreg:$0x11] =	wrdreg s4  }
0x107: {  	s1 =	sadd.s32 $0xFFFFFFFF, s7;
	s0 =	rddreg [dreg:$0x3];
	[sflag:s31] =	ssyncset.done $0x0  }
.LBB2_2:
0x108: {  	[sflag:s31] =	ssyncadd.s32 $0xFFFF3800  }
0x109: {  	[tilespmem:s2], [sflag:$0x1] =	stream.linear.gather [hbm4b:s0+s2], $0x640, $0x38;
	[tilespmem:$0x19C80] =	vst v63  }
0x10a: {  	_ =	swait.ge [sflag:s17], $0x640  }
0x10b: {  	[sflag:s17] =	ssyncset.done $0x0  }
0x10c: {  	[sflag:s17] =	ssyncadd.s32 $0xFFFFF9C0  }
0x10d: {  	[tilespmem:s9], [sflag:$0x3] =	stream.indirect.gather [hbm4b:s3+s8], $0x20, s2, s8, $0xb8;
	[tilespmem:$0x19C80] =	vst v63  }
0x10e: {  	s7 =	rddreg [dreg:$0x4]  }
0x10f: {  	[tilespmem:s8], [sflag:$0x2] =	stream.linear.gather [hbm4b:s7+s2], $0x640, $0x38;
	[tilespmem:$0x19C80] =	vst v63  }
0x110: {  	_ =	swait.ge [sflag:s18], $0xC800  }
0x111: {  	[sflag:s18] =	ssyncset.done $0x0  }
0x112: {  	[sflag:s18] =	ssyncadd.s32 $0xFFFF3800  }
0x113: {  	_ =	swait.ge [sflag:s14], $0x640  }
0x114: {  	[sflag:s14] =	ssyncset.done $0x0  }
0x115: {  	[sflag:s14] =	ssyncadd.s32 $0xFFFFF9C0  }
0x116: {  	[tilespmem:s6], [sflag:$0x4] =	stream.indirect.gather [hbm4b:s3+s8], $0x20, s8, s8, $0xb8;
	[tilespmem:$0x19C80] =	vst v63  }
0x117: {  	s7 =	simm.s32 $0xC80;
	s0 =	rddreg [dreg:$0x5]  }
0x118: {  	[hbm4b:s0+s2] =	stream.linear.scatter [tilespmem:s7], [sflag:$0x5], $0xC800, $0x38;
	[tilespmem:$0x19C80] =	vst v63  }
0x119: {  	s4 =	rddreg [dreg:$0x6]  }
0x11a: {  	[tilespmem:s2], [sflag:$0x1] =	stream.linear.gather [hbm4b:s4+s2], $0x640, $0x38;
	[tilespmem:$0x19C80] =	vst v63  }
0x11b: {  	_ =	swait.ge [sflag:s13], $0xC800  }
0x11c: {  	[sflag:s13] =	ssyncset.done $0x0  }
0x11d: {  	[sflag:s13] =	ssyncadd.s32 $0xFFFF3800  }
0x11e: {  	_ =	swait.ge [sflag:s11], $0xC800  }
0x11f: {  	[sflag:s11] =	ssyncset.done $0x0  }
0x120: {  	[sflag:s11] =	ssyncadd.s32 $0xFFFF3800  }
0x121: {  	s9 =	simm.s32 $0xD480;
	_ =	swait.ge [sflag:s17], $0x640  }
0x122: {  	s6 =	smov.u32 s30;
	s30 =	smov.u32 s29;
	[sflag:s17] =	ssyncset.done $0x0  }
0x123: {  	s29 =	smov.u32 s28;
	s28 =	smov.u32 s26;
	[sflag:s17] =	ssyncadd.s32 $0xFFFFF9C0  }
0x124: {  	[tilespmem:s7], [sflag:$0x3] =	stream.indirect.gather [hbm4b:s3+s8], $0x20, s2, s8, $0xb8;
	[tilespmem:$0x19C80] =	vst v63  }
0x125: {  	s26 =	smov.u32 s25;
	s25 =	smov.u32 s24;
	s4 =	rddreg [dreg:$0x7]  }
0x126: {  	[hbm4b:s4+s2] =	stream.linear.scatter [tilespmem:s9], [sflag:$0x6], $0xC800, $0x38;
	[tilespmem:$0x19C80] =	vst v63  }
0x127: {  	s24 =	smov.u32 s23;
	s23 =	smov.u32 s22;
	s22 =	rddreg [dreg:$0x8]  }
0x128: {  	[tilespmem:s8], [sflag:$0x2] =	stream.linear.gather [hbm4b:s22+s2], $0x640, $0x38;
	[tilespmem:$0x19C80] =	vst v63  }
0x129: {  	_ =	swait.ge [sflag:s18], $0xC800  }
0x12a: {  	[sflag:s18] =	ssyncset.done $0x0  }
0x12b: {  	[sflag:s18] =	ssyncadd.s32 $0xFFFF3800  }
0x12c: {  	_ =	swait.ge [sflag:s31], $0xC800  }
0x12d: {  	[sflag:s31] =	ssyncset.done $0x0  }
0x12e: {  	[sflag:s31] =	ssyncadd.s32 $0xFFFF3800  }
0x12f: {  	_ =	swait.ge [sflag:s14], $0x640  }
0x130: {  	[sflag:s14] =	ssyncset.done $0x0  }
0x131: {  	[sflag:s14] =	ssyncadd.s32 $0xFFFFF9C0  }
0x132: {  	[tilespmem:s9], [sflag:$0x4] =	stream.indirect.gather [hbm4b:s3+s8], $0x20, s8, s8, $0xb8;
	[tilespmem:$0x19C80] =	vst v63  }
0x133: {  	s4 =	rddreg [dreg:$0x9]  }
0x134: {  	[hbm4b:s4+s2] =	stream.linear.scatter [tilespmem:s7], [sflag:$0x5], $0xC800, $0x38;
	[tilespmem:$0x19C80] =	vst v63  }
0x135: {  	s22 =	rddreg [dreg:$0xa]  }
0x136: {  	[tilespmem:s2], [sflag:$0x1] =	stream.linear.gather [hbm4b:s22+s2], $0x640, $0x38;
	[tilespmem:$0x19C80] =	vst v63  }
0x137: {  	_ =	swait.ge [sflag:s13], $0xC800  }
0x138: {  	[sflag:s13] =	ssyncset.done $0x0  }
0x139: {  	[sflag:s13] =	ssyncadd.s32 $0xFFFF3800  }
0x13a: {  	_ =	swait.ge [sflag:s11], $0xC800  }
0x13b: {  	[sflag:s11] =	ssyncset.done $0x0  }
0x13c: {  	[sflag:s11] =	ssyncadd.s32 $0xFFFF3800  }
0x13d: {  	_ =	swait.ge [sflag:s17], $0x640  }
0x13e: {  	[sflag:s17] =	ssyncset.done $0x0  }
0x13f: {  	[sflag:s17] =	ssyncadd.s32 $0xFFFFF9C0  }
0x140: {  	[tilespmem:s7], [sflag:$0x3] =	stream.indirect.gather [hbm4b:s3+s8], $0x20, s2, s8, $0xb8;
	[tilespmem:$0x19C80] =	vst v63  }
0x141: {  	s4 =	rddreg [dreg:$0xb]  }
0x142: {  	[hbm4b:s4+s2] =	stream.linear.scatter [tilespmem:s9], [sflag:$0x6], $0xC800, $0x38;
	[tilespmem:$0x19C80] =	vst v63  }
0x143: {  	s22 =	rddreg [dreg:$0xc]  }
0x144: {  	[tilespmem:s8], [sflag:$0x2] =	stream.linear.gather [hbm4b:s22+s2], $0x640, $0x38;
	[tilespmem:$0x19C80] =	vst v63  }
0x145: {  	_ =	swait.ge [sflag:s18], $0xC800  }
0x146: {  	[sflag:s18] =	ssyncset.done $0x0  }
0x147: {  	[sflag:s18] =	ssyncadd.s32 $0xFFFF3800  }
0x148: {  	_ =	swait.ge [sflag:s31], $0xC800  }
0x149: {  	[sflag:s31] =	ssyncset.done $0x0  }
0x14a: {  	[sflag:s31] =	ssyncadd.s32 $0xFFFF3800  }
0x14b: {  	_ =	swait.ge [sflag:s14], $0x640  }
0x14c: {  	[sflag:s14] =	ssyncset.done $0x0  }
0x14d: {  	[sflag:s14] =	ssyncadd.s32 $0xFFFFF9C0  }
0x14e: {  	[tilespmem:s9], [sflag:$0x4] =	stream.indirect.gather [hbm4b:s3+s8], $0x20, s8, s8, $0xb8;
	[tilespmem:$0x19C80] =	vst v63  }
0x14f: {  	s4 =	rddreg [dreg:$0xd]  }
0x150: {  	[hbm4b:s4+s2] =	stream.linear.scatter [tilespmem:s7], [sflag:$0x5], $0xC800, $0x38;
	[tilespmem:$0x19C80] =	vst v63  }
0x151: {  	s22 =	rddreg [dreg:$0xe]  }
0x152: {  	[tilespmem:s2], [sflag:$0x1] =	stream.linear.gather [hbm4b:s22+s2], $0x640, $0x38;
	[tilespmem:$0x19C80] =	vst v63  }
0x153: {  	_ =	swait.ge [sflag:s13], $0xC800  }
0x154: {  	[sflag:s13] =	ssyncset.done $0x0  }
0x155: {  	[sflag:s13] =	ssyncadd.s32 $0xFFFF3800  }
0x156: {  	_ =	swait.ge [sflag:s11], $0xC800  }
0x157: {  	[sflag:s11] =	ssyncset.done $0x0  }
0x158: {  	[sflag:s11] =	ssyncadd.s32 $0xFFFF3800  }
0x159: {  	_ =	swait.ge [sflag:s17], $0x640  }
0x15a: {  	[sflag:s17] =	ssyncset.done $0x0  }
0x15b: {  	s4 =	rddreg [dreg:$0xf];
	[sflag:s17] =	ssyncadd.s32 $0xFFFFF9C0  }
0x15c: {  	[tilespmem:s7], [sflag:$0x3] =	stream.indirect.gather [hbm4b:s3+s8], $0x20, s2, s8, $0xb8;
	[tilespmem:$0x19C80] =	vst v63  }
0x15d: {  	s0 =	smov.u32 s5;
	s5 =	smov.u32 s10;
	s10 =	rddreg [dreg:$0x12]  }
0x15e: {  	[hbm4b:s4+s2] =	stream.linear.scatter [tilespmem:s9], [sflag:$0x6], $0xC800, $0x38;
	[tilespmem:$0x19C80] =	vst v63  }
0x15f: {  	s7 =	rddreg [dreg:$0x10]  }
0x160: {  	[tilespmem:s8], [sflag:$0x2] =	stream.linear.gather [hbm4b:s7+s2], $0x640, $0x38;
	[tilespmem:$0x19C80] =	vst v63  }
0x161: {  	s4 =	rddreg [dreg:$0x11];
	_ =	swait.ge [sflag:s18], $0xC800  }
0x162: {  	[sflag:s18] =	ssyncset.done $0x0  }
0x163: {  	[sflag:s18] =	ssyncadd.s32 $0xFFFF3800  }
0x164: {  	_ =	swait.ge [sflag:s31], $0xC800  }
0x165: {  	s22 =	smov.u32 s23;
	[sflag:s31] =	ssyncset.done $0x0  }
0x166: {  	s23 =	smov.u32 s24;
	s24 =	smov.u32 s25;
	[sflag:s31] =	ssyncadd.s32 $0xFFFF3800  }
0x167: {  	s25 =	smov.u32 s26;
	s26 =	smov.u32 s28;
	_ =	swait.ge [sflag:s14], $0x640  }
0x168: {  	s28 =	smov.u32 s29;
	s29 =	smov.u32 s30;
	[sflag:s14] =	ssyncset.done $0x0  }
0x169: {  	s30 =	smov.u32 s6;
	s6 =	simm.s32 $0xD480;
	[sflag:s14] =	ssyncadd.s32 $0xFFFFF9C0  }
0x16a: {  	[tilespmem:s6], [sflag:$0x4] =	stream.indirect.gather [hbm4b:s3+s8], $0x20, s8, s8, $0xb8;
	[tilespmem:$0x19C80] =	vst v63  }
0x16b: {  	s9 =	simm.s32 $0xC80  }
0x16c: {  	[hbm4b:s30+s2] =	stream.linear.scatter [tilespmem:s9], [sflag:$0x5], $0xC800, $0x38;
	[tilespmem:$0x19C80] =	vst v63  }
0x16d: {  	_ = 	snop  }
0x16e: {  	[tilespmem:s2], [sflag:$0x1] =	stream.linear.gather [hbm4b:s4+s2], $0x640, $0x38;
	[tilespmem:$0x19C80] =	vst v63  }
0x16f: {  	_ =	swait.ge [sflag:s13], $0xC800  }
0x170: {  	[sflag:s13] =	ssyncset.done $0x0  }
0x171: {  	[sflag:s13] =	ssyncadd.s32 $0xFFFF3800  }
0x172: {  	_ =	swait.ge [sflag:s11], $0xC800  }
0x173: {  	[sflag:s11] =	ssyncset.done $0x0  }
0x174: {  	[sflag:s11] =	ssyncadd.s32 $0xFFFF3800  }
0x175: {  	_ =	swait.ge [sflag:s17], $0x640  }
0x176: {  	[sflag:s17] =	ssyncset.done $0x0  }
0x177: {  	[sflag:s17] =	ssyncadd.s32 $0xFFFFF9C0  }
0x178: {  	[tilespmem:s9], [sflag:$0x3] =	stream.indirect.gather [hbm4b:s3+s8], $0x20, s2, s8, $0xb8;
	[tilespmem:$0x19C80] =	vst v63  }
0x179: {  	_ = 	snop  }
0x17a: {  	[hbm4b:s28+s2] =	stream.linear.scatter [tilespmem:s6], [sflag:$0x6], $0xC800, $0x38;
	[tilespmem:$0x19C80] =	vst v63  }
0x17b: {  	_ = 	snop  }
0x17c: {  	[tilespmem:s8], [sflag:$0x2] =	stream.linear.gather [hbm4b:s29+s2], $0x640, $0x38;
	[tilespmem:$0x19C80] =	vst v63  }
0x17d: {  	_ =	swait.ge [sflag:s18], $0xC800  }
0x17e: {  	[sflag:s18] =	ssyncset.done $0x0  }
0x17f: {  	[sflag:s18] =	ssyncadd.s32 $0xFFFF3800  }
0x180: {  	_ =	swait.ge [sflag:s31], $0xC800  }
0x181: {  	[sflag:s31] =	ssyncset.done $0x0  }
0x182: {  	[sflag:s31] =	ssyncadd.s32 $0xFFFF3800  }
0x183: {  	_ =	swait.ge [sflag:s14], $0x640  }
0x184: {  	[sflag:s14] =	ssyncset.done $0x0  }
0x185: {  	[sflag:s14] =	ssyncadd.s32 $0xFFFFF9C0  }
0x186: {  	[tilespmem:s6], [sflag:$0x4] =	stream.indirect.gather [hbm4b:s3+s8], $0x20, s8, s8, $0xb8;
	[tilespmem:$0x19C80] =	vst v63  }
0x187: {  	_ = 	snop  }
0x188: {  	[hbm4b:s25+s2] =	stream.linear.scatter [tilespmem:s9], [sflag:$0x5], $0xC800, $0x38;
	[tilespmem:$0x19C80] =	vst v63  }
0x189: {  	_ = 	snop  }
0x18a: {  	[tilespmem:s2], [sflag:$0x1] =	stream.linear.gather [hbm4b:s26+s2], $0x640, $0x38;
	[tilespmem:$0x19C80] =	vst v63  }
0x18b: {  	_ =	swait.ge [sflag:s13], $0xC800  }
0x18c: {  	[sflag:s13] =	ssyncset.done $0x0  }
0x18d: {  	[sflag:s13] =	ssyncadd.s32 $0xFFFF3800  }
0x18e: {  	_ =	swait.ge [sflag:s11], $0xC800  }
0x18f: {  	[sflag:s11] =	ssyncset.done $0x0  }
0x190: {  	[sflag:s11] =	ssyncadd.s32 $0xFFFF3800  }
0x191: {  	_ =	swait.ge [sflag:s17], $0x640  }
0x192: {  	[sflag:s17] =	ssyncset.done $0x0  }
0x193: {  	[sflag:s17] =	ssyncadd.s32 $0xFFFFF9C0  }
0x194: {  	[tilespmem:s9], [sflag:$0x3] =	stream.indirect.gather [hbm4b:s3+s8], $0x20, s2, s8, $0xb8;
	[tilespmem:$0x19C80] =	vst v63  }
0x195: {  	_ = 	snop  }
0x196: {  	[hbm4b:s23+s2] =	stream.linear.scatter [tilespmem:s6], [sflag:$0x6], $0xC800, $0x38;
	[tilespmem:$0x19C80] =	vst v63  }
0x197: {  	_ = 	snop  }
0x198: {  	[tilespmem:s8], [sflag:$0x2] =	stream.linear.gather [hbm4b:s24+s2], $0x640, $0x38;
	[tilespmem:$0x19C80] =	vst v63  }
0x199: {  	_ =	swait.ge [sflag:s18], $0xC800  }
0x19a: {  	[sflag:s18] =	ssyncset.done $0x0  }
0x19b: {  	[sflag:s18] =	ssyncadd.s32 $0xFFFF3800  }
0x19c: {  	_ =	swait.ge [sflag:s31], $0xC800  }
0x19d: {  	[sflag:s31] =	ssyncset.done $0x0  }
0x19e: {  	[sflag:s31] =	ssyncadd.s32 $0xFFFF3800  }
0x19f: {  	_ =	swait.ge [sflag:s14], $0x640  }
0x1a0: {  	[sflag:s14] =	ssyncset.done $0x0  }
0x1a1: {  	[sflag:s14] =	ssyncadd.s32 $0xFFFFF9C0  }
0x1a2: {  	[tilespmem:s6], [sflag:$0x4] =	stream.indirect.gather [hbm4b:s3+s8], $0x20, s8, s8, $0xb8;
	[tilespmem:$0x19C80] =	vst v63  }
0x1a3: {  	_ = 	snop  }
0x1a4: {  	[hbm4b:s21+s2] =	stream.linear.scatter [tilespmem:s9], [sflag:$0x5], $0xC800, $0x38;
	[tilespmem:$0x19C80] =	vst v63  }
0x1a5: {  	_ = 	snop  }
0x1a6: {  	[tilespmem:s2], [sflag:$0x1] =	stream.linear.gather [hbm4b:s22+s2], $0x640, $0x38;
	[tilespmem:$0x19C80] =	vst v63  }
0x1a7: {  	_ =	swait.ge [sflag:s13], $0xC800  }
0x1a8: {  	[sflag:s13] =	ssyncset.done $0x0  }
0x1a9: {  	[sflag:s13] =	ssyncadd.s32 $0xFFFF3800  }
0x1aa: {  	_ =	swait.ge [sflag:s11], $0xC800  }
0x1ab: {  	[sflag:s11] =	ssyncset.done $0x0  }
0x1ac: {  	[sflag:s11] =	ssyncadd.s32 $0xFFFF3800  }
0x1ad: {  	_ =	swait.ge [sflag:s17], $0x640  }
0x1ae: {  	[sflag:s17] =	ssyncset.done $0x0  }
0x1af: {  	[sflag:s17] =	ssyncadd.s32 $0xFFFFF9C0  }
0x1b0: {  	[tilespmem:s9], [sflag:$0x3] =	stream.indirect.gather [hbm4b:s3+s8], $0x20, s2, s8, $0xb8;
	[tilespmem:$0x19C80] =	vst v63  }
0x1b1: {  	_ = 	snop  }
0x1b2: {  	[hbm4b:s10+s2] =	stream.linear.scatter [tilespmem:s6], [sflag:$0x6], $0xC800, $0x38;
	[tilespmem:$0x19C80] =	vst v63  }
0x1b3: {  	_ = 	snop  }
0x1b4: {  	[tilespmem:s8], [sflag:$0x2] =	stream.linear.gather [hbm4b:s20+s2], $0x640, $0x38;
	[tilespmem:$0x19C80] =	vst v63  }
0x1b5: {  	_ =	swait.ge [sflag:s18], $0xC800  }
0x1b6: {  	[sflag:s18] =	ssyncset.done $0x0  }
0x1b7: {  	[sflag:s18] =	ssyncadd.s32 $0xFFFF3800  }
0x1b8: {  	_ =	swait.ge [sflag:s31], $0xC800  }
0x1b9: {  	[sflag:s31] =	ssyncset.done $0x0  }
0x1ba: {  	[sflag:s31] =	ssyncadd.s32 $0xFFFF3800  }
0x1bb: {  	_ =	swait.ge [sflag:s14], $0x640  }
0x1bc: {  	[sflag:s14] =	ssyncset.done $0x0  }
0x1bd: {  	[sflag:s14] =	ssyncadd.s32 $0xFFFFF9C0  }
0x1be: {  	[tilespmem:s6], [sflag:$0x4] =	stream.indirect.gather [hbm4b:s3+s8], $0x20, s8, s8, $0xb8;
	[tilespmem:$0x19C80] =	vst v63  }
0x1bf: {  	s7 =	smov.u32 s12;
	s12 =	smov.u32 s16  }
0x1c0: {  	[hbm4b:s12+s2] =	stream.linear.scatter [tilespmem:s9], [sflag:$0x5], $0xC800, $0x38;
	[tilespmem:$0x19C80] =	vst v63  }
0x1c1: {  	_ = 	snop  }
0x1c2: {  	[tilespmem:s2], [sflag:$0x1] =	stream.linear.gather [hbm4b:s19+s2], $0x640, $0x38;
	[tilespmem:$0x19C80] =	vst v63  }
0x1c3: {  	_ =	swait.ge [sflag:s13], $0xC800  }
0x1c4: {  	[sflag:s13] =	ssyncset.done $0x0  }
0x1c5: {  	[sflag:s13] =	ssyncadd.s32 $0xFFFF3800  }
0x1c6: {  	_ =	swait.ge [sflag:s11], $0xC800  }
0x1c7: {  	[sflag:s11] =	ssyncset.done $0x0  }
0x1c8: {  	[sflag:s11] =	ssyncadd.s32 $0xFFFF3800  }
0x1c9: {  	_ =	swait.ge [sflag:s17], $0x640  }
0x1ca: {  	[sflag:s17] =	ssyncset.done $0x0  }
0x1cb: {  	[sflag:s17] =	ssyncadd.s32 $0xFFFFF9C0  }
0x1cc: {  	[tilespmem:s9], [sflag:$0x3] =	stream.indirect.gather [hbm4b:s3+s8], $0x20, s2, s8, $0xb8;
	[tilespmem:$0x19C80] =	vst v63  }
0x1cd: {  	_ = 	snop  }
0x1ce: {  	[hbm4b:s7+s2] =	stream.linear.scatter [tilespmem:s6], [sflag:$0x6], $0xC800, $0x38;
	[tilespmem:$0x19C80] =	vst v63  }
0x1cf: {  	_ = 	snop  }
0x1d0: {  	[tilespmem:s8], [sflag:$0x2] =	stream.linear.gather [hbm4b:s15+s2], $0x640, $0x38;
	[tilespmem:$0x19C80] =	vst v63  }
0x1d1: {  	_ =	swait.ge [sflag:s18], $0xC800  }
0x1d2: {  	[sflag:s18] =	ssyncset.done $0x0  }
0x1d3: {  	[sflag:s18] =	ssyncadd.s32 $0xFFFF3800  }
0x1d4: {  	_ =	swait.ge [sflag:s31], $0xC800  }
0x1d5: {  	[sflag:s31] =	ssyncset.done $0x0  }
0x1d6: {  	[sflag:s31] =	ssyncadd.s32 $0xFFFF3800  }
0x1d7: {  	_ =	swait.ge [sflag:s14], $0x640  }
0x1d8: {  	[sflag:s14] =	ssyncset.done $0x0  }
0x1d9: {  	[sflag:s14] =	ssyncadd.s32 $0xFFFFF9C0  }
0x1da: {  	[tilespmem:s6], [sflag:$0x4] =	stream.indirect.gather [hbm4b:s3+s8], $0x20, s8, s8, $0xb8;
	[tilespmem:$0x19C80] =	vst v63  }
0x1db: {  	_ = 	snop  }
0x1dc: {  	[hbm4b:s5+s2] =	stream.linear.scatter [tilespmem:s9], [sflag:$0x5], $0xC800, $0x38;
	[tilespmem:$0x19C80] =	vst v63  }
0x1dd: {  	_ =	swait.ge [sflag:s13], $0xC800  }
0x1de: {  	[sflag:s13] =	ssyncset.done $0x0  }
0x1df: {  	[sflag:s13] =	ssyncadd.s32 $0xFFFF3800  }
0x1e0: {  	p1 =	sne.s32 s1, $0x1;
	_ =	swait.ge [sflag:s11], $0xC800  }
.Ltmp2:
0x1e1: {  	[sflag:s11] =	ssyncset.done $0x0;
	(pc) =	sbr.rel @p1 .LBB2_2-.Ltmp2, $4  }
0x1e2: {  	s1 =	sadd.s32 $0xFFFFFFFF, s1;
	s16 =	smov.u32 s12;
	[sflag:s11] =	ssyncadd.s32 $0xFFFF3800  }
0x1e3: {  	[hbm4b:s0+s2] =	stream.linear.scatter [tilespmem:s6], [sflag:$0x6], $0xC800, $0x38;
	[tilespmem:$0x19C80] =	vst v63  }
0x1e4: {  	s10 =	smov.u32 s5;
	s12 =	smov.u32 s7;
	_ =	swait.ge [sflag:s31], $0xC800  }
0x1e5: {  	s5 =	smov.u32 s0;
	s0 =	rddreg [dreg:$0x3];
	[sflag:s31] =	ssyncset.done $0x0  }
.LBB2_3:
0x1e6: {  	[sflag:s31] =	ssyncadd.s32 @p0 $0xFFFF3800  }
0x1e7: {  	[tilespmem:s2], [sflag:$0x1] =	stream.linear.gather [hbm4b:s0+s2], $0x640, $0x38;
	[tilespmem:$0x19C80] =	vst v63  }
0x1e8: {  	_ =	swait.ge [sflag:s17], $0x640  }
0x1e9: {  	[sflag:s17] =	ssyncset.done $0x0  }
0x1ea: {  	[sflag:s17] =	ssyncadd.s32 $0xFFFFF9C0  }
0x1eb: {  	[tilespmem:s9], [sflag:$0x3] =	stream.indirect.gather [hbm4b:s3+s8], $0x20, s2, s8, $0xb8;
	[tilespmem:$0x19C80] =	vst v63  }
0x1ec: {  	s1 =	rddreg [dreg:$0x4]  }
0x1ed: {  	[tilespmem:s8], [sflag:$0x2] =	stream.linear.gather [hbm4b:s1+s2], $0x640, $0x38;
	[tilespmem:$0x19C80] =	vst v63  }
0x1ee: {  	_ =	swait.ge [sflag:s18], $0xC800  }
0x1ef: {  	[sflag:s18] =	ssyncset.done $0x0  }
0x1f0: {  	[sflag:s18] =	ssyncadd.s32 $0xFFFF3800  }
0x1f1: {  	_ =	swait.ge [sflag:s14], $0x640  }
0x1f2: {  	[sflag:s14] =	ssyncset.done $0x0  }
0x1f3: {  	[sflag:s14] =	ssyncadd.s32 $0xFFFFF9C0  }
0x1f4: {  	[tilespmem:s6], [sflag:$0x4] =	stream.indirect.gather [hbm4b:s3+s8], $0x20, s8, s8, $0xb8;
	[tilespmem:$0x19C80] =	vst v63  }
0x1f5: {  	s7 =	rddreg [dreg:$0x5]  }
0x1f6: {  	[hbm4b:s7+s2] =	stream.linear.scatter [tilespmem:s9], [sflag:$0x5], $0xC800, $0x38;
	[tilespmem:$0x19C80] =	vst v63  }
0x1f7: {  	s1 =	rddreg [dreg:$0x6]  }
0x1f8: {  	[tilespmem:s2], [sflag:$0x1] =	stream.linear.gather [hbm4b:s1+s2], $0x640, $0x38;
	[tilespmem:$0x19C80] =	vst v63  }
0x1f9: {  	_ =	swait.ge [sflag:s13], $0xC800  }
0x1fa: {  	[sflag:s13] =	ssyncset.done $0x0  }
0x1fb: {  	[sflag:s13] =	ssyncadd.s32 $0xFFFF3800  }
0x1fc: {  	_ =	swait.ge [sflag:s11], $0xC800  }
0x1fd: {  	[sflag:s11] =	ssyncset.done $0x0  }
0x1fe: {  	[sflag:s11] =	ssyncadd.s32 $0xFFFF3800  }
0x1ff: {  	_ =	swait.ge [sflag:s17], $0x640  }
0x200: {  	[sflag:s17] =	ssyncset.done $0x0  }
0x201: {  	[sflag:s17] =	ssyncadd.s32 $0xFFFFF9C0  }
0x202: {  	[tilespmem:s9], [sflag:$0x3] =	stream.indirect.gather [hbm4b:s3+s8], $0x20, s2, s8, $0xb8;
	[tilespmem:$0x19C80] =	vst v63  }
0x203: {  	s1 =	rddreg [dreg:$0x7]  }
0x204: {  	[hbm4b:s1+s2] =	stream.linear.scatter [tilespmem:s6], [sflag:$0x6], $0xC800, $0x38;
	[tilespmem:$0x19C80] =	vst v63  }
0x205: {  	s7 =	rddreg [dreg:$0x8]  }
0x206: {  	[tilespmem:s8], [sflag:$0x2] =	stream.linear.gather [hbm4b:s7+s2], $0x640, $0x38;
	[tilespmem:$0x19C80] =	vst v63  }
0x207: {  	_ =	swait.ge [sflag:s18], $0xC800  }
0x208: {  	[sflag:s18] =	ssyncset.done $0x0  }
0x209: {  	[sflag:s18] =	ssyncadd.s32 $0xFFFF3800  }
0x20a: {  	_ =	swait.ge [sflag:s31], $0xC800  }
0x20b: {  	[sflag:s31] =	ssyncset.done $0x0  }
0x20c: {  	[sflag:s31] =	ssyncadd.s32 $0xFFFF3800  }
0x20d: {  	_ =	swait.ge [sflag:s14], $0x640  }
0x20e: {  	[sflag:s14] =	ssyncset.done $0x0  }
0x20f: {  	[sflag:s14] =	ssyncadd.s32 $0xFFFFF9C0  }
0x210: {  	[tilespmem:s6], [sflag:$0x4] =	stream.indirect.gather [hbm4b:s3+s8], $0x20, s8, s8, $0xb8;
	[tilespmem:$0x19C80] =	vst v63  }
0x211: {  	s1 =	rddreg [dreg:$0x9]  }
0x212: {  	[hbm4b:s1+s2] =	stream.linear.scatter [tilespmem:s9], [sflag:$0x5], $0xC800, $0x38;
	[tilespmem:$0x19C80] =	vst v63  }
0x213: {  	s7 =	rddreg [dreg:$0xa]  }
0x214: {  	[tilespmem:s2], [sflag:$0x1] =	stream.linear.gather [hbm4b:s7+s2], $0x640, $0x38;
	[tilespmem:$0x19C80] =	vst v63  }
0x215: {  	_ =	swait.ge [sflag:s13], $0xC800  }
0x216: {  	[sflag:s13] =	ssyncset.done $0x0  }
0x217: {  	[sflag:s13] =	ssyncadd.s32 $0xFFFF3800  }
0x218: {  	_ =	swait.ge [sflag:s11], $0xC800  }
0x219: {  	[sflag:s11] =	ssyncset.done $0x0  }
0x21a: {  	[sflag:s11] =	ssyncadd.s32 $0xFFFF3800  }
0x21b: {  	_ =	swait.ge [sflag:s17], $0x640  }
0x21c: {  	[sflag:s17] =	ssyncset.done $0x0  }
0x21d: {  	[sflag:s17] =	ssyncadd.s32 $0xFFFFF9C0  }
0x21e: {  	[tilespmem:s9], [sflag:$0x3] =	stream.indirect.gather [hbm4b:s3+s8], $0x20, s2, s8, $0xb8;
	[tilespmem:$0x19C80] =	vst v63  }
0x21f: {  	s1 =	rddreg [dreg:$0xb]  }
0x220: {  	[hbm4b:s1+s2] =	stream.linear.scatter [tilespmem:s6], [sflag:$0x6], $0xC800, $0x38;
	[tilespmem:$0x19C80] =	vst v63  }
0x221: {  	s7 =	rddreg [dreg:$0xc]  }
0x222: {  	[tilespmem:s8], [sflag:$0x2] =	stream.linear.gather [hbm4b:s7+s2], $0x640, $0x38;
	[tilespmem:$0x19C80] =	vst v63  }
0x223: {  	_ =	swait.ge [sflag:s18], $0xC800  }
0x224: {  	[sflag:s18] =	ssyncset.done $0x0  }
0x225: {  	[sflag:s18] =	ssyncadd.s32 $0xFFFF3800  }
0x226: {  	_ =	swait.ge [sflag:s31], $0xC800  }
0x227: {  	[sflag:s31] =	ssyncset.done $0x0  }
0x228: {  	[sflag:s31] =	ssyncadd.s32 $0xFFFF3800  }
0x229: {  	_ =	swait.ge [sflag:s14], $0x640  }
0x22a: {  	[sflag:s14] =	ssyncset.done $0x0  }
0x22b: {  	[sflag:s14] =	ssyncadd.s32 $0xFFFFF9C0  }
0x22c: {  	[tilespmem:s6], [sflag:$0x4] =	stream.indirect.gather [hbm4b:s3+s8], $0x20, s8, s8, $0xb8;
	[tilespmem:$0x19C80] =	vst v63  }
0x22d: {  	s1 =	rddreg [dreg:$0xd]  }
0x22e: {  	[hbm4b:s1+s2] =	stream.linear.scatter [tilespmem:s9], [sflag:$0x5], $0xC800, $0x38;
	[tilespmem:$0x19C80] =	vst v63  }
0x22f: {  	s7 =	rddreg [dreg:$0xe]  }
0x230: {  	[tilespmem:s2], [sflag:$0x1] =	stream.linear.gather [hbm4b:s7+s2], $0x640, $0x38;
	[tilespmem:$0x19C80] =	vst v63  }
0x231: {  	_ =	swait.ge [sflag:s13], $0xC800  }
0x232: {  	[sflag:s13] =	ssyncset.done $0x0  }
0x233: {  	[sflag:s13] =	ssyncadd.s32 $0xFFFF3800  }
0x234: {  	_ =	swait.ge [sflag:s11], $0xC800  }
0x235: {  	[sflag:s11] =	ssyncset.done $0x0  }
0x236: {  	[sflag:s11] =	ssyncadd.s32 $0xFFFF3800  }
0x237: {  	_ =	swait.ge [sflag:s17], $0x640  }
0x238: {  	[sflag:s17] =	ssyncset.done $0x0  }
0x239: {  	[sflag:s17] =	ssyncadd.s32 $0xFFFFF9C0  }
0x23a: {  	[tilespmem:s9], [sflag:$0x3] =	stream.indirect.gather [hbm4b:s3+s8], $0x20, s2, s8, $0xb8;
	[tilespmem:$0x19C80] =	vst v63  }
0x23b: {  	s1 =	rddreg [dreg:$0xf]  }
0x23c: {  	[hbm4b:s1+s2] =	stream.linear.scatter [tilespmem:s6], [sflag:$0x6], $0xC800, $0x38;
	[tilespmem:$0x19C80] =	vst v63  }
0x23d: {  	s7 =	rddreg [dreg:$0x10]  }
0x23e: {  	[tilespmem:s8], [sflag:$0x2] =	stream.linear.gather [hbm4b:s7+s2], $0x640, $0x38;
	[tilespmem:$0x19C80] =	vst v63  }
0x23f: {  	_ =	swait.ge [sflag:s18], $0xC800  }
0x240: {  	[sflag:s18] =	ssyncset.done $0x0  }
0x241: {  	[sflag:s18] =	ssyncadd.s32 $0xFFFF3800  }
0x242: {  	_ =	swait.ge [sflag:s31], $0xC800  }
0x243: {  	[sflag:s31] =	ssyncset.done $0x0  }
0x244: {  	[sflag:s31] =	ssyncadd.s32 $0xFFFF3800  }
0x245: {  	_ =	swait.ge [sflag:s14], $0x640  }
0x246: {  	[sflag:s14] =	ssyncset.done $0x0  }
0x247: {  	[sflag:s14] =	ssyncadd.s32 $0xFFFFF9C0  }
0x248: {  	[tilespmem:s6], [sflag:$0x4] =	stream.indirect.gather [hbm4b:s3+s8], $0x20, s8, s8, $0xb8;
	[tilespmem:$0x19C80] =	vst v63  }
0x249: {  	_ = 	snop  }
0x24a: {  	[hbm4b:s30+s2] =	stream.linear.scatter [tilespmem:s9], [sflag:$0x5], $0xC800, $0x38;
	[tilespmem:$0x19C80] =	vst v63  }
0x24b: {  	_ = 	snop  }
0x24c: {  	[tilespmem:s2], [sflag:$0x1] =	stream.linear.gather [hbm4b:s4+s2], $0x640, $0x38;
	[tilespmem:$0x19C80] =	vst v63  }
0x24d: {  	_ =	swait.ge [sflag:s13], $0xC800  }
0x24e: {  	[sflag:s13] =	ssyncset.done $0x0  }
0x24f: {  	[sflag:s13] =	ssyncadd.s32 $0xFFFF3800  }
0x250: {  	_ =	swait.ge [sflag:s11], $0xC800  }
0x251: {  	[sflag:s11] =	ssyncset.done $0x0  }
0x252: {  	[sflag:s11] =	ssyncadd.s32 $0xFFFF3800  }
0x253: {  	_ =	swait.ge [sflag:s17], $0x640  }
0x254: {  	[sflag:s17] =	ssyncset.done $0x0  }
0x255: {  	[sflag:s17] =	ssyncadd.s32 $0xFFFFF9C0  }
0x256: {  	[tilespmem:s9], [sflag:$0x3] =	stream.indirect.gather [hbm4b:s3+s8], $0x20, s2, s8, $0xb8;
	[tilespmem:$0x19C80] =	vst v63  }
0x257: {  	_ = 	snop  }
0x258: {  	[hbm4b:s28+s2] =	stream.linear.scatter [tilespmem:s6], [sflag:$0x6], $0xC800, $0x38;
	[tilespmem:$0x19C80] =	vst v63  }
0x259: {  	_ = 	snop  }
0x25a: {  	[tilespmem:s8], [sflag:$0x2] =	stream.linear.gather [hbm4b:s29+s2], $0x640, $0x38;
	[tilespmem:$0x19C80] =	vst v63  }
0x25b: {  	_ =	swait.ge [sflag:s18], $0xC800  }
0x25c: {  	[sflag:s18] =	ssyncset.done $0x0  }
0x25d: {  	[sflag:s18] =	ssyncadd.s32 $0xFFFF3800  }
0x25e: {  	_ =	swait.ge [sflag:s31], $0xC800  }
0x25f: {  	[sflag:s31] =	ssyncset.done $0x0  }
0x260: {  	[sflag:s31] =	ssyncadd.s32 $0xFFFF3800  }
0x261: {  	_ =	swait.ge [sflag:s14], $0x640  }
0x262: {  	[sflag:s14] =	ssyncset.done $0x0  }
0x263: {  	[sflag:s14] =	ssyncadd.s32 $0xFFFFF9C0  }
0x264: {  	[tilespmem:s6], [sflag:$0x4] =	stream.indirect.gather [hbm4b:s3+s8], $0x20, s8, s8, $0xb8;
	[tilespmem:$0x19C80] =	vst v63  }
0x265: {  	_ = 	snop  }
0x266: {  	[hbm4b:s25+s2] =	stream.linear.scatter [tilespmem:s9], [sflag:$0x5], $0xC800, $0x38;
	[tilespmem:$0x19C80] =	vst v63  }
0x267: {  	_ = 	snop  }
0x268: {  	[tilespmem:s2], [sflag:$0x1] =	stream.linear.gather [hbm4b:s26+s2], $0x640, $0x38;
	[tilespmem:$0x19C80] =	vst v63  }
0x269: {  	_ =	swait.ge [sflag:s13], $0xC800  }
0x26a: {  	[sflag:s13] =	ssyncset.done $0x0  }
0x26b: {  	[sflag:s13] =	ssyncadd.s32 $0xFFFF3800  }
0x26c: {  	_ =	swait.ge [sflag:s11], $0xC800  }
0x26d: {  	[sflag:s11] =	ssyncset.done $0x0  }
0x26e: {  	[sflag:s11] =	ssyncadd.s32 $0xFFFF3800  }
0x26f: {  	_ =	swait.ge [sflag:s17], $0x640  }
0x270: {  	[sflag:s17] =	ssyncset.done $0x0  }
0x271: {  	[sflag:s17] =	ssyncadd.s32 $0xFFFFF9C0  }
0x272: {  	[tilespmem:s9], [sflag:$0x3] =	stream.indirect.gather [hbm4b:s3+s8], $0x20, s2, s8, $0xb8;
	[tilespmem:$0x19C80] =	vst v63  }
0x273: {  	_ = 	snop  }
0x274: {  	[hbm4b:s23+s2] =	stream.linear.scatter [tilespmem:s6], [sflag:$0x6], $0xC800, $0x38;
	[tilespmem:$0x19C80] =	vst v63  }
0x275: {  	_ = 	snop  }
0x276: {  	[tilespmem:s8], [sflag:$0x2] =	stream.linear.gather [hbm4b:s24+s2], $0x640, $0x38;
	[tilespmem:$0x19C80] =	vst v63  }
0x277: {  	_ =	swait.ge [sflag:s18], $0xC800  }
0x278: {  	[sflag:s18] =	ssyncset.done $0x0  }
0x279: {  	[sflag:s18] =	ssyncadd.s32 $0xFFFF3800  }
0x27a: {  	_ =	swait.ge [sflag:s31], $0xC800  }
0x27b: {  	[sflag:s31] =	ssyncset.done $0x0  }
0x27c: {  	[sflag:s31] =	ssyncadd.s32 $0xFFFF3800  }
0x27d: {  	_ =	swait.ge [sflag:s14], $0x640  }
0x27e: {  	[sflag:s14] =	ssyncset.done $0x0  }
0x27f: {  	[sflag:s14] =	ssyncadd.s32 $0xFFFFF9C0  }
0x280: {  	[tilespmem:s6], [sflag:$0x4] =	stream.indirect.gather [hbm4b:s3+s8], $0x20, s8, s8, $0xb8;
	[tilespmem:$0x19C80] =	vst v63  }
0x281: {  	_ = 	snop  }
0x282: {  	[hbm4b:s21+s2] =	stream.linear.scatter [tilespmem:s9], [sflag:$0x5], $0xC800, $0x38;
	[tilespmem:$0x19C80] =	vst v63  }
0x283: {  	_ = 	snop  }
0x284: {  	[tilespmem:s2], [sflag:$0x1] =	stream.linear.gather [hbm4b:s22+s2], $0x640, $0x38;
	[tilespmem:$0x19C80] =	vst v63  }
0x285: {  	_ =	swait.ge [sflag:s13], $0xC800  }
0x286: {  	[sflag:s13] =	ssyncset.done $0x0  }
0x287: {  	[sflag:s13] =	ssyncadd.s32 $0xFFFF3800  }
0x288: {  	_ =	swait.ge [sflag:s11], $0xC800  }
0x289: {  	[sflag:s11] =	ssyncset.done $0x0  }
0x28a: {  	[sflag:s11] =	ssyncadd.s32 $0xFFFF3800  }
0x28b: {  	_ =	swait.ge [sflag:s17], $0x640  }
0x28c: {  	[sflag:s17] =	ssyncset.done $0x0  }
0x28d: {  	[sflag:s17] =	ssyncadd.s32 $0xFFFFF9C0  }
0x28e: {  	[tilespmem:s9], [sflag:$0x3] =	stream.indirect.gather [hbm4b:s3+s8], $0x20, s2, s8, $0xb8;
	[tilespmem:$0x19C80] =	vst v63  }
0x28f: {  	s30 =	rddreg [dreg:$0x12]  }
0x290: {  	[hbm4b:s30+s2] =	stream.linear.scatter [tilespmem:s6], [sflag:$0x6], $0xC800, $0x38;
	[tilespmem:$0x19C80] =	vst v63  }
0x291: {  	_ = 	snop  }
0x292: {  	[tilespmem:s8], [sflag:$0x2] =	stream.linear.gather [hbm4b:s20+s2], $0x640, $0x38;
	[tilespmem:$0x19C80] =	vst v63  }
0x293: {  	_ =	swait.ge [sflag:s18], $0xC800  }
0x294: {  	[sflag:s18] =	ssyncset.done $0x0  }
0x295: {  	[sflag:s18] =	ssyncadd.s32 $0xFFFF3800  }
0x296: {  	_ =	swait.ge [sflag:s31], $0xC800  }
0x297: {  	[sflag:s31] =	ssyncset.done $0x0  }
0x298: {  	[sflag:s31] =	ssyncadd.s32 $0xFFFF3800  }
0x299: {  	_ =	swait.ge [sflag:s14], $0x640  }
0x29a: {  	[sflag:s14] =	ssyncset.done $0x0  }
0x29b: {  	[sflag:s14] =	ssyncadd.s32 $0xFFFFF9C0  }
0x29c: {  	[tilespmem:s6], [sflag:$0x4] =	stream.indirect.gather [hbm4b:s3+s8], $0x20, s8, s8, $0xb8;
	[tilespmem:$0x19C80] =	vst v63  }
0x29d: {  	_ = 	snop  }
0x29e: {  	[hbm4b:s16+s2] =	stream.linear.scatter [tilespmem:s9], [sflag:$0x5], $0xC800, $0x38;
	[tilespmem:$0x19C80] =	vst v63  }
0x29f: {  	_ = 	snop  }
0x2a0: {  	[tilespmem:s2], [sflag:$0x1] =	stream.linear.gather [hbm4b:s19+s2], $0x640, $0x38;
	[tilespmem:$0x19C80] =	vst v63  }
0x2a1: {  	_ =	swait.ge [sflag:s13], $0xC800  }
0x2a2: {  	[sflag:s13] =	ssyncset.done $0x0  }
0x2a3: {  	[sflag:s13] =	ssyncadd.s32 $0xFFFF3800  }
0x2a4: {  	_ =	swait.ge [sflag:s11], $0xC800  }
0x2a5: {  	[sflag:s11] =	ssyncset.done $0x0  }
0x2a6: {  	[sflag:s11] =	ssyncadd.s32 $0xFFFF3800  }
0x2a7: {  	_ =	swait.ge [sflag:s17], $0x640  }
0x2a8: {  	[sflag:s17] =	ssyncset.done $0x0  }
0x2a9: {  	[sflag:s17] =	ssyncadd.s32 $0xFFFFF9C0  }
0x2aa: {  	[tilespmem:s9], [sflag:$0x3] =	stream.indirect.gather [hbm4b:s3+s8], $0x20, s2, s8, $0xb8;
	[tilespmem:$0x19C80] =	vst v63  }
0x2ab: {  	_ = 	snop  }
0x2ac: {  	[hbm4b:s12+s2] =	stream.linear.scatter [tilespmem:s6], [sflag:$0x6], $0xC800, $0x38;
	[tilespmem:$0x19C80] =	vst v63  }
0x2ad: {  	_ = 	snop  }
0x2ae: {  	[tilespmem:s8], [sflag:$0x2] =	stream.linear.gather [hbm4b:s15+s2], $0x640, $0x38;
	[tilespmem:$0x19C80] =	vst v63  }
0x2af: {  	_ =	swait.ge [sflag:s18], $0xC800  }
0x2b0: {  	[sflag:s18] =	ssyncset.done $0x0  }
0x2b1: {  	[sflag:s18] =	ssyncadd.s32 $0xFFFF3800  }
0x2b2: {  	_ =	swait.ge [sflag:s31], $0xC800  }
0x2b3: {  	[sflag:s31] =	ssyncset.done $0x0  }
0x2b4: {  	[sflag:s31] =	ssyncadd.s32 $0xFFFF3800  }
0x2b5: {  	_ =	swait.ge [sflag:s14], $0x640  }
0x2b6: {  	[sflag:s14] =	ssyncset.done $0x0  }
0x2b7: {  	[sflag:s14] =	ssyncadd.s32 $0xFFFFF9C0  }
0x2b8: {  	[tilespmem:s6], [sflag:$0x4] =	stream.indirect.gather [hbm4b:s3+s8], $0x20, s8, s8, $0xb8;
	[tilespmem:$0x19C80] =	vst v63  }
0x2b9: {  	_ = 	snop  }
0x2ba: {  	[hbm4b:s10+s2] =	stream.linear.scatter [tilespmem:s9], [sflag:$0x5], $0xC800, $0x38;
	[tilespmem:$0x19C80] =	vst v63  }
0x2bb: {  	_ =	swait.ge [sflag:s13], $0xC800  }
0x2bc: {  	[sflag:s13] =	ssyncset.done $0x0  }
0x2bd: {  	[sflag:s13] =	ssyncadd.s32 $0xFFFF3800  }
0x2be: {  	_ =	swait.ge [sflag:s11], $0xC800  }
0x2bf: {  	[sflag:s11] =	ssyncset.done $0x0  }
0x2c0: {  	[sflag:s11] =	ssyncadd.s32 $0xFFFF3800  }
0x2c1: {  	[hbm4b:s5+s2] =	stream.linear.scatter [tilespmem:s6], [sflag:$0x6], $0xC800, $0x38;
	[tilespmem:$0x19C80] =	vst v63  }
0x2c2: {  	_ =	swait.ge [sflag:s31], $0xC800  }
0x2c3: {  	[sflag:s31] =	ssyncset.done $0x0  }
0x2c4: {  	[sflag:s31] =	ssyncadd.s32 $0xFFFF3800  }
0x2c5: {  	_ =	sfence.sel $0x180000  }
0x2c6: {  	[bflag:$0x0] =	sbarrier.arrive $0xFFFF  }
0x2c7: {  	_ =	strace $0x90000047  }
0x2c8: {  	s31 =	stileid.u32;
	[bflag:$0x2] =	sbarrier.arrive $0xFFFF  }
0x2c9: {  	p0 =	sne.s32 s31, $0x0;
	s0 =	rddreg [dreg:$0x2]  }
0x2ca: {  	s0 =	sadd.s32 @!p0 $0x100000, s0  }
0x2cb: {  	[sflag:s0] =	ssyncadd.tile.s32 @!p0 $0x1;
	_ =	shalt  }
.Lfunc_end2:
_tile_overlayer_lowered:
.L_overlay_start_2:
0x2cc: {  	(tag) =	ssettag $0x2  }
0x2cd: {  	s0 =	rddreg [dreg:$0x0];
	s2 =	stileid.u32  }
0x2ce: {  	s1 =	rddreg [dreg:$0x1];
	p0 =	sne.s32 s2, $0x0  }
0x2cf: {  	s3 =	rddreg [dreg:$0x2];
	[bflag:$0x3] =	sbarrier.arrive $0xFFFF;
	s2 =	simm.s32 @!p0 $0x1C07  }
0x2d0: {  	[timem:s3], [sflag:s2] =	dma.local @!p0 [hbm:s0], s1  }
0x2d1: {  	s0 =	simm.s32 @!p0 $0x7  }
0x2d2: {  	_ =	swait.ge @!p0 [sflag:s0], s1  }
0x2d3: {  	s1 =	ssub.s32 @!p0 $0x0, s1;
	[sflag:s0] =	ssyncset.done @!p0 $0x0  }
0x2d4: {  	[sflag:s0] =	ssyncadd.s32 @!p0 s1  }
0x2d5: {  	[bflag:$0x3] =	sbarrier.arrive $0xFFFF  }
0x2d6: {  	_ =	shalt  }

// kernel: sparse-core-data-format-call.cloned.1.call-start
scs
called_computation_lowered:
.L_overlay_start_0:
0x0: {  	s2 =	sld [smem:$0x3FD9]  }
0x1: {  	s3 =	sld [smem:$0x3FFE];
	_ =	sdelay $0x1  }
0x2: {  	s1 =	srdreg.scid  }
0x3: {  	s0 =	sand.u32 $0x1, s1  }
0x4: {  	s18 =	sshll.u32 s0, $0xA;
	s2 =	sadd.s32 s3, s2  }
0x5: {  	s2 =	sadd.s32 s2, s18  }
0x6: {  	[smem:$0x3FC6] =	sst s2  }
0x7: {  	_ = 	snop  }
0x8: {  	s2 =	sld [smem:$0x3FD0];
	(tm) =	ssettm $0x1  }
0x9: {  	s19 =	sld [smem:$0x3FFB];
	_ =	sdelay $0x3  }
0xa: {  	_ =	strace s19  }
0xb: {  	s3 =	sld [smem:$0x3FFC];
	_ =	sdelay $0x3  }
0xc: {  	_ =	strace s3  }
0xd: {  	s3 =	sld [smem:$0x3FFD];
	_ =	sdelay $0x3  }
0xe: {  	_ =	strace s3  }
0xf: {  	_ =	strace $0x8FFFFFFF  }
0x10: {  	s20 =	sld [smem:$0x3FDB];
	_ =	sdelay $0x1  }
0x11: {  	s4 =	simm.s32 $_scs_section_size  }
0x12: {  	s5 =	simm.s32 $_size__tile_overlayer_lowered;
	s6 =	simm.s32 $_tile_overlayer_lowered  }
0x13: {  	s23 =	simm.s32 $0x1BFF;
	s22 =	sshll.u32 s6, $0x1;
	s3 =	sadd.s32 s4, s20  }
0x14: {  	s7 =	simm.s32 $0x0;
	s21 =	sshll.u32 s5, $0x1;
	s5 =	sadd.s32 s22, s3  }
0x15: {  	[timem:s7], [sflag:s23] =	dma.local [hbm:s5], s21  }
0x16: {  	_ =	swait.ge [sflag:s23], s21  }
0x17: {  	s4 =	ssub.s32 $0x0, s21;
	[sflag:s23] =	ssyncset.done $0x0  }
0x18: {  	[sflag:s23] =	ssyncadd.s32 s4;
	_ =	sdelay $0x1  }
0x19: {  	s24 =	simm.s32 $0x1B8B  }
0x1a: {  	_ =	swait.ge [sflag:s24], $0x1  }
0x1b: {  	[sflag:s24] =	ssyncset.done $0x0  }
0x1c: {  	s26 =	simm.s32 $0x1B8E;
	s25 =	sld [smem:$0x3FFE];
	[sflag:s24] =	ssyncadd.s32 $0xFFFFFFFF  }
0x1d: {  	s27 =	simm.s32 $execute0_lowered;
	[smem:$0x3FD2] =	sst s26  }
0x1e: {  	s5 =	sshll.u32 s27, $0x1;
	_ =	strace $0x80000049;
	[dreg:$0x1] =	wrdreg $0xFFFFFFFF  }
0x1f: {  	s28 =	simm.s32 $_size_execute0_lowered;
	s3 =	sadd.s32 s3, s5;
	[dreg:$0x0] =	wrdreg $0x0  }
0x20: {  	s5 =	sshll.u32 s28, $0x1;
	[dreg:$0x2] =	wrdreg s3  }
0x21: {  	[dreg:$0x3] =	wrdreg s5  }
0x22: {  	[dreg:$0x4] =	wrdreg $0xC0  }
0x23: {  	_ =	task [dreg:s7], $0x5FFFF  }
0x24: {  	[dreg:$0x1] =	wrdreg $0xFFFFFFFF  }
0x25: {  	[dreg:$0x0] =	wrdreg $0x60  }
0x26: {  	[dreg:$0x2] =	wrdreg s25  }
0x27: {  	[dreg:$0x3] =	wrdreg s2  }
0x28: {  	[dreg:$0x4] =	wrdreg $0x9  }
0x29: {  	_ =	task.clear_ibuf [dreg:s7], $0x5FFFF;
	_ =	strace $0x90000049  }
0x2a: {  	s29 =	simm.s32 $0x9;
	_ =	strace $0x8000004B  }
0x2b: {  	_ =	swait.ge [sflag:s29], $0x1  }
0x2c: {  	[sflag:s29] =	ssyncadd.s32 $0xFFFFFFFF  }
0x2d: {  	_ =	strace $0x9000004B  }
0x2e: {  	_ =	sfence  }
0x2f: {  	s30 =	sld [smem:$0x0];
	_ =	sdelay $0x2  }
0x30: {  	s31 =	sshll.u32 s1, $0xD;
	s1 =	sshrl.u32 s1, $0x2  }
0x31: {  	s3 =	sand.u32 $0x4000, s31;
	s1 =	sadd.s32 s1, s30  }
0x32: {  	s0 =	sor.u32 s3, s0;
	s1 =	sshll.u32 s1, $0x11  }
0x33: {  	s0 =	sor.u32 s1, s0  }
0x34: {  	s0 =	sadd.s32 $0x8F2B, s0  }
0x35: {  	[sflag:s0] =	ssyncadd.remote.s32 $0x1  }
0x36: {  	_ =	sfence.sel $0xFFFF  }
0x37: {  	[dreg:$0x0] =	wrdreg $0xFFFFFFFF;
	(pc) =	sbr.abs _section_cstart, $3  }
0x38: {  	[dreg:$0x1] =	wrdreg $0xFFFFFFFF  }
0x39: {  	_ =	task.clear_ibuf [dreg:s7], $0x2FFFF;
	_ =	strace $0x9FFFFFFF  }
0x3a: {  	(tm) =	ssettm $0x7FFFFFFF  }
0x3b: {  	_ =	shalt  }
tec
execute0_lowered:
.L_overlay_start_1:
0x0: {  	(tag) =	ssettag $0x1  }
0x1: {  	s0 =	srdreg.scid  }
0x2: {  	s1 =	sshll.u32 s0, $0x4  }
0x3: {  	s0 =	stileid.u32;
	s1 =	sand.u32 $0x10, s1  }
0x4: {  	s1 =	sor.u32 s0, s1  }
0x5: {  	s6 =	rddreg [dreg:$0x0];
	s4 =	simm.s32 $0x1;
	s2 =	sshll.u32 s1, $0x7  }
0x6: {  	s7 =	simm.s32 $0x2;
	s12 =	simm.s32 $0x0;
	s1 =	ssub.s32 $0x1000, s2  }
0x7: {  	s8 =	simm.s32 $0x8000;
	s13 =	simm.s32 $0x0;
	s3 =	sand.u32 $0xF80, s1  }
0x8: {  	s9 =	simm.s32 $0x0;
	s5 =	sshrl.u32 s1, $0xC;
	p0 =	sne.s32 s3, $0x0  }
.Ltmp0:
0x9: {  	s1 =	rddreg [dreg:$0x2];
	s4 =	simm.s32 @!p0 $0x0;
	(pc) =	sbr.rel .LBB1_1-.Ltmp0, $4  }
0xa: {  	s11 =	simm.s32 $0x0;
	s3 =	rddreg [dreg:$0x1];
	s5 =	sadd.s32 s4, s5  }
0xb: {  	_ =	strace $0x8000004A;
	s4 =	simm.s32 $0x1;
	s5 =	smul.u32 $0xC8, s5  }
0xc: {  	s6 =	sadd.s32 $0xA00, s6;
	s10 =	smov.u32 s2;
	[sflag:s4] =	ssyncpa.u1 $0x0  }
0xd: {  	p0 =	por $0x0, $0x0;
	[sflag:s7] =	ssyncpa.u1 $0x0;
	s7 =	sor.u32 $0x1, s5  }
.LBB1_4:
0xe: {  	s16 =	sshll.u32 s13, $0x3;
	s17 =	sand.u32 $0x78, s13  }
0xf: {  	s30 =	sand.u32 $0x3E00, s13;
	s12 =	sshll.u32 s12, $0xE;
	s16 =	sand.u32 $0xC00, s16  }
0x10: {  	s31 =	sand.u32 $0x7, s13;
	s16 =	sor.u32 s17, s16;
	s17 =	sadd.s32 s3, s30  }
0x11: {  	s13 =	sshll.u32 s31, $0x12;
	s16 =	sshrl.u32 s16, $0x3;
	s12 =	sadd.s32 s12, s17  }
0x12: {  	[tilespmem:s15+$0x0 ss:$0x81] =	vst.msk $0xffff, v0;
	s13 =	sor.u32 $0x400, s13;
	s12 =	sadd.s32 s16, s12  }
0x13: {  	[hbm4b:s12+s13] =	stream.strided.scatter [tilespmem:s14], [sflag:$0x2], $0x1000, s8, s13, $0x20;
	[tilespmem:$0x4040] =	vst v63  }
.LBB1_5:
0x14: {  	s14 =	sadd.s32 $0x1, s9  }
0x15: {  	s12 =	sadd.s32 $0x1000, s10;
	s16 =	smov.u32 s10;
	p2 =	sgt.s32 s14, $0xC7  }
0x16: {  	s16 =	smov.u32 @p2 s12  }
0x17: {  	s14 =	simm.s32 @p2 $0x0;
	p2 =	sgt.s32 s16, $0xFFF  }
0x18: {  	s16 =	smov.u32 @p2 s2;
	p2 =	sne.s32 s11, s7  }
.Ltmp1:
0x19: {  	p1 =	slt.u32 s11, $0x2;
	(pc) =	sbr.rel @!p2 .LBB1_6-.Ltmp1, $4  }
0x1a: {  	s15 =	simm.s32 @!p1 $0x2  }
0x1b: {  	s13 =	smov.u32 s10;
	p0 =	por !p0, !p0;
	_ =	swait.ge @!p1 [sflag:s15], $0x1000  }
0x1c: {  	s12 =	smov.u32 s9;
	[sflag:s15] =	ssyncset.done @!p1 $0x0;
	s9 =	smov.u32 s14  }
0x1d: {  	s11 =	sadd.s32 $0x1, s11;
	[sflag:s15] =	ssyncadd.s32 @!p1 $0xFFFFF000;
	s10 =	smov.u32 s16  }
.LBB1_1:
0x1e: {  	p1 =	sge.u32 s11, s5  }
0x1f: {  	s14 =	sand.u32 @!p1 $0x1FFFFFF, s9  }
0x20: {  	s15 =	smulhi.u32 @!p1 $0x147AE15, s14;
	_ =	sdelay $0x1  }
0x21: {  	s15 =	smul.u32 @!p1 $0xC8, s15  }
0x22: {  	s16 =	sxor.u32 @!p1 $0xFFFFFFFF, s11;
	s17 =	smul.u32 @!p1 $0xC80, s10  }
0x23: {  	s31 =	sadd.s32 $0xFFFFFFFF, s11;
	s16 =	sshll.u32 @!p1 s16, $0xC;
	s14 =	ssub.s32 @!p1 s14, s15  }
0x24: {  	s15 =	sand.u32 @!p1 $0x1000, s16;
	s16 =	sadd.s32 @!p1 s6, s17;
	s14 =	sshll.u32 @!p1 s14, $0x4  }
0x25: {  	s17 =	simm.s32 @!p1 $0x6400;
	s14 =	sadd.s32 @!p1 s14, s16;
	s16 =	simm.s32 @!p1 $0x20  }
0x26: {  	[tilespmem:s15], [sflag:$0x1] =	stream.strided.gather @!p1 [hbm4b:s14+s16], $0x1000, s17, s16, $0x38;
	[tilespmem:$0x4040] =	vst v63  }
0x27: {  	p1 =	sge.u32 s31, s5  }
.Ltmp2:
0x28: {  	_ = 	snop;
	(pc) =	sbr.rel @p1 .LBB1_5-.Ltmp2, $1  }
0x29: {  	_ =	sdelay $0x3  }
0x2a: {  	s14 =	simm.s32 $0x1  }
0x2b: {  	_ =	swait.ge [sflag:s4], $0x1000;
	s14 =	simm.s32 @!p0 $0x0  }
0x2c: {  	[sflag:s4] =	ssyncset.done $0x0;
	s15 =	sshll.u32 s14, $0xC  }
0x2d: {  	[sflag:s4] =	ssyncadd.s32 $0xFFFFF000;
	s18 =	sor.u32 $0x10, s15  }
0x2e: {  	s14 =	smul.u32 $0x4080, s14;
	v1 =	vld [tilespmem:s18+$0x0]  }
0x2f: {  	s30 =	sand.u32 $0x1, s11;
	v0 =	vld [tilespmem:s18+$0xFFFFFFF0]  }
0x30: {  	s15 =	smul.u32 $0x4080, s30;
	s14 =	sshrl.u32 s14, $0x2  }
0x31: {  	s16 =	sor.u32 $0x2000, s14  }
0x32: {  	s31 =	sshrl.u32 s15, $0x2;
	s15 =	sadd.s32 $0x0, s16  }
0x33: {  	s17 =	simm.s32 $0x4;
	s18 =	sadd.s32 $0x20, s18;
	s14 =	sor.u32 $0x2000, s31;
	[tilespmem:s15+$0x810 ss:$0x81] =	vst.msk $0xffff, v1  }
.LBB1_3:
0x34: {  	v1 =	vld [tilespmem:s18+$0x0];
	p1 =	sne.s32 s17, $0x1FC;
	[tilespmem:s15+$0x0 ss:$0x81] =	vst.msk $0xffff, v0;
	s15 =	smov.u32 s17;
	s17 =	sadd.s32 $0x4, s17  }
.Ltmp3:
0x35: {  	v0 =	vld [tilespmem:s18+$0xFFFFFFF0];
	(pc) =	sbr.rel @p1 .LBB1_3-.Ltmp3, $4  }
0x36: {  	_ = 	snop  }
0x37: {  	s15 =	sshra.s32 s15, $0x2  }
0x38: {  	s15 =	sadd.s32 s15, s16  }
0x39: {  	s18 =	sadd.s32 $0x20, s18;
	[tilespmem:s15+$0x810 ss:$0x81] =	vst.msk $0xffff, v1  }
.Ltmp4:
0x3a: {  	_ = 	snop;
	(pc) =	sbr.rel .LBB1_4-.Ltmp4, $1  }
0x3b: {  	_ =	sdelay $0x3  }
.LBB1_6:
0x3c: {  	_ =	sfence.sel $0x180000  }
0x3d: {  	s2 =	simm.s32 $0x1;
	[bflag:$0x0] =	sbarrier.arrive $0xFFFF  }
0x3e: {  	s31 =	simm.s32 $0x2;
	[sflag:s2] =	ssyncpa.u1 $0x1  }
0x3f: {  	[sflag:s31] =	ssyncpa.u1 $0x1  }
0x40: {  	p0 =	sne.s32 s0, $0x0;
	_ =	strace $0x9000004A  }
0x41: {  	s0 =	sadd.s32 @!p0 $0x100000, s1;
	[bflag:$0x2] =	sbarrier.arrive $0xFFFF  }
0x42: {  	[sflag:s0] =	ssyncadd.tile.s32 @!p0 $0x1;
	_ =	shalt  }
.Lfunc_end1:
_tile_overlayer_lowered:
.L_overlay_start_2:
0x43: {  	(tag) =	ssettag $0x2  }
0x44: {  	s0 =	rddreg [dreg:$0x0];
	s2 =	stileid.u32  }
0x45: {  	s1 =	rddreg [dreg:$0x1];
	p0 =	sne.s32 s2, $0x0  }
0x46: {  	s3 =	rddreg [dreg:$0x2];
	[bflag:$0x3] =	sbarrier.arrive $0xFFFF;
	s2 =	simm.s32 @!p0 $0x1C01  }
0x47: {  	[timem:s3], [sflag:s2] =	dma.local @!p0 [hbm:s0], s1  }
0x48: {  	s0 =	simm.s32 @!p0 $0x1  }
0x49: {  	_ =	swait.ge @!p0 [sflag:s0], s1  }
0x4a: {  	s1 =	ssub.s32 @!p0 $0x0, s1;
	[sflag:s0] =	ssyncset.done @!p0 $0x0  }
0x4b: {  	[sflag:s0] =	ssyncadd.s32 @!p0 s1  }
0x4c: {  	[bflag:$0x3] =	sbarrier.arrive $0xFFFF  }
0x4d: {  	_ =	shalt  }

</sc_bundles>
